<compile_context>
chip_gen: v7x
topology: tpu7x:2x2x1
jax: 0.10.2.dev20260603
libtpu: 0.0.44.dev20260713+nightly
codegen_flags: <defaults>
</compile_context>

<pallas_src>
import functools

import jax
import jax.numpy as jnp
from jax import lax
from jax.experimental import pallas as pl
from jax.experimental.pallas import tpu as pltpu
from jax.experimental.pallas import tpu_sc as plsc

NC = 2
NS = 16
CH = 128


def _deg_body(np_, ca, dst_hbm, ones_hbm, zeros_hbm, out_hbm, idx_v, ones_v, acc_sh, semD):
    c = lax.axis_index("c")
    s = lax.axis_index("s")
    wid = s * NC + c
    rt = np_ // NS
    pltpu.sync_copy(zeros_hbm.at[pl.ds(s * rt, rt)], acc_sh.at[pl.ds(s * rt, rt)])
    pltpu.sync_copy(ones_hbm, ones_v)
    pltpu.sync_copy(dst_hbm.at[wid], idx_v)
    plsc.subcore_barrier()

    @pl.loop(0, ca)
    def _(j):
        pltpu.async_copy(ones_v, acc_sh.at[idx_v.at[j]], semD, add=True)

    @pl.loop(0, ca)
    def _(j):
        pltpu.make_async_copy(ones_v, acc_sh.at[idx_v.at[j]], semD).wait()

    plsc.subcore_barrier()
    pltpu.sync_copy(acc_sh.at[pl.ds(s * rt, rt)], out_hbm.at[c, pl.ds(s * rt, rt)])


def _agg_body(np_, cb, y0_hbm, y1_hbm, src_hbm, dst_hbm, zeros_hbm, out_hbm,
              dst_v, si, buf0, buf1, acc_sh, semS0, semS1, semG0, semG1,
              semW0, semW1):
    c = lax.axis_index("c")
    s = lax.axis_index("s")
    rt = np_ // NS
    pltpu.sync_copy(zeros_hbm.at[pl.ds(s * rt, rt)], acc_sh.at[pl.ds(s * rt, rt)])
    pltpu.sync_copy(dst_hbm.at[s], dst_v)
    plsc.subcore_barrier()

    def run(y_hbm):
        pltpu.async_copy(src_hbm.at[s, 0], si.at[0], semS0)
        pltpu.async_copy(src_hbm.at[s, 1], si.at[1], semS1)
        pltpu.make_async_copy(src_hbm.at[s, 0], si.at[0], semS0).wait()
        pltpu.async_copy(y_hbm.at[si.at[0]], buf0, semG0)

        @pl.loop(0, cb, step=2)
        def _(j):
            @pl.when(j > 0)
            def _():
                pltpu.make_async_copy(buf1, acc_sh.at[dst_v.at[j - 1]],
                                      semW1).wait()

            pltpu.make_async_copy(src_hbm.at[s, j + 1], si.at[1], semS1).wait()
            pltpu.async_copy(y_hbm.at[si.at[1]], buf1, semG1)

            pltpu.make_async_copy(y_hbm.at[si.at[0]], buf0, semG0).wait()

            @pl.when(j + 2 < cb)
            def _():
                pltpu.async_copy(src_hbm.at[s, j + 2], si.at[0], semS0)

            pltpu.async_copy(buf0, acc_sh.at[dst_v.at[j]], semW0,
                             add=True)

            pltpu.make_async_copy(y_hbm.at[si.at[1]], buf1, semG1).wait()

            @pl.when(j + 3 < cb)
            def _():
                pltpu.async_copy(src_hbm.at[s, j + 3], si.at[1], semS1)

            pltpu.async_copy(buf1, acc_sh.at[dst_v.at[j + 1]], semW1,
                             add=True)

            @pl.when(j + 2 < cb)
            def _():
                pltpu.make_async_copy(buf0, acc_sh.at[dst_v.at[j]],
                                      semW0).wait()
                pltpu.make_async_copy(src_hbm.at[s, j + 2], si.at[0],
                                      semS0).wait()
                pltpu.async_copy(y_hbm.at[si.at[0]], buf0, semG0)

        pltpu.make_async_copy(buf0, acc_sh.at[dst_v.at[cb - 2]], semW0).wait()
        pltpu.make_async_copy(buf1, acc_sh.at[dst_v.at[cb - 1]], semW1).wait()

    @pl.when(c == 0)
    def _():
        run(y0_hbm)

    @pl.when(c == 1)
    def _():
        run(y1_hbm)

    plsc.subcore_barrier()
    pltpu.sync_copy(acc_sh.at[pl.ds(s * rt, rt)], out_hbm.at[c, pl.ds(s * rt, rt)])


def _mm_body(x_ref, w_ref, d_ref, y0_ref, y1_ref):
    xw = lax.dot_general(x_ref[...], w_ref[...], (((1,), (1,)), ((), ())),
                         preferred_element_type=jnp.float32)
    dinv = lax.rsqrt(d_ref[...] + 1.0)
    y = xw * dinv
    dh = y.shape[1] // 2
    y0_ref[...] = y[:, :dh]
    y1_ref[...] = y[:, dh:]


def _fin_body(s0_ref, s1_ref, y0_ref, y1_ref, d_ref, b_ref, g_ref,
              bb_ref, o_ref):
    dinv = lax.rsqrt(d_ref[...] + 1.0)
    h = jnp.concatenate([s0_ref[0] + y0_ref[...], s1_ref[0] + y1_ref[...]],
                        axis=-1)
    h = h * dinv + b_ref[...][None, :]
    mean = jnp.mean(h, axis=1, keepdims=True)
    var = jnp.mean((h - mean) ** 2, axis=1, keepdims=True)
    h = (h - mean) * lax.rsqrt(var + 1e-5)
    h = h * g_ref[...][None, :] + bb_ref[...][None, :]
    o_ref[...] = 0.5 * h * (1.0 + lax.erf(h * 0.7071067811865476))


def kernel(x, edge_index, W, b, ln_gamma, ln_beta):
    N, D = x.shape
    DO = W.shape[0]
    E = edge_index.shape[1]
    DH = DO // 2

    NP = ((N + 1 + 2047) // 2048) * 2048
    EP = ((E + 4095) // 4096) * 4096
    CA = EP // (2 * NS * CH)
    CB = EP // (NS * CH)

    src = edge_index[0].astype(jnp.int32)
    dst = edge_index[1].astype(jnp.int32)
    pad = EP - E
    src_p = jnp.concatenate([src, jnp.zeros((pad,), jnp.int32)])
    dst_p = jnp.concatenate([dst, jnp.full((pad,), N, jnp.int32)])
    dst_a = dst_p.reshape(2 * NS, CA, CH)
    src_b = src_p.reshape(NS, CB, CH)
    dst_b = dst_p.reshape(NS, CB, CH)

    DW = DH
    ones1 = jnp.ones((CH, DW), jnp.float32)
    zerosd = jnp.zeros((NP, DW), jnp.float32)
    zerosb = jnp.zeros((NP, DH), jnp.float32)

    mesh = plsc.VectorSubcoreMesh(core_axis_name="c", subcore_axis_name="s")

    deg_call = functools.partial(pl.kernel,
        out_type=jax.ShapeDtypeStruct((NC, NP, DW), jnp.float32),
        mesh=mesh,
        scratch_types=[
            pltpu.VMEM((CA, CH), jnp.int32),
            pltpu.VMEM((CH, DW), jnp.float32),
            pltpu.VMEM_SHARED((NP, DW), jnp.float32),
            pltpu.SemaphoreType.DMA,
        ])(functools.partial(_deg_body, NP, CA))
    deg = deg_call(dst_a, ones1, zerosd)
    degc = deg[0, :, :1] + deg[1, :, :1]

    R = 400
    grid = (N // R,)
    dspec = pl.BlockSpec((R, 1), lambda i: (i, 0))
    y = pl.pallas_call(
        _mm_body,
        grid=grid,
        in_specs=[
            pl.BlockSpec((R, D), lambda i: (i, 0)),
            pl.BlockSpec((DO, D), lambda i: (0, 0)),
            dspec,
        ],
        out_specs=[pl.BlockSpec((R, DH), lambda i: (i, 0)),
                   pl.BlockSpec((R, DH), lambda i: (i, 0))],
        out_shape=[jax.ShapeDtypeStruct((N, DH), jnp.float32),
                   jax.ShapeDtypeStruct((N, DH), jnp.float32)],
    )(x, W, degc)
    y0, y1 = y

    agg_call = functools.partial(pl.kernel,
        out_type=jax.ShapeDtypeStruct((NC, NP, DH), jnp.float32),
        mesh=mesh,
        scratch_types=[
            pltpu.VMEM((CB, CH), jnp.int32),
            pltpu.VMEM((2, CH), jnp.int32),
            pltpu.VMEM((CH, DH), jnp.float32),
            pltpu.VMEM((CH, DH), jnp.float32),
            pltpu.VMEM_SHARED((NP, DH), jnp.float32),
            pltpu.SemaphoreType.DMA,
            pltpu.SemaphoreType.DMA,
            pltpu.SemaphoreType.DMA,
            pltpu.SemaphoreType.DMA,
            pltpu.SemaphoreType.DMA,
            pltpu.SemaphoreType.DMA,
        ])(functools.partial(_agg_body, NP, CB))
    s_parts = agg_call(y0, y1, src_b, dst_b, zerosb)

    sspec0 = pl.BlockSpec((1, R, DH), lambda i: (0, i, 0))
    sspec1 = pl.BlockSpec((1, R, DH), lambda i: (1, i, 0))
    vspec = pl.BlockSpec((DO,), lambda i: (0,))
    out = pl.pallas_call(
        _fin_body,
        grid=grid,
        in_specs=[
            sspec0, sspec1,
            pl.BlockSpec((R, DH), lambda i: (i, 0)),
            pl.BlockSpec((R, DH), lambda i: (i, 0)),
            dspec,
            vspec, vspec, vspec,
        ],
        out_specs=pl.BlockSpec((R, DO), lambda i: (i, 0)),
        out_shape=jax.ShapeDtypeStruct((N, DO), jnp.float32),
    )(s_parts, s_parts, y0, y1, degc, b, ln_gamma, ln_beta)
    return out

# --- scband reference (transcript-rebuilt; emitter-appended) ---
"""Pipeline reference for scband-graph-conv-layer-12567074308180 (READ-ONLY COPY).

The authoritative reference and input builder live on the scoring server;
editing this copy changes nothing except your own understanding.
"""

import jax, jax.numpy as jnp
import numpy as np

N_NODES = 10000
N_EDGES = 160000
D_IN = 256
D_OUT = 256


def setup_inputs(seed: int = 0) -> dict:
    key = jax.random.key(seed)
    k_x, k_ei, k_w, k_b = jax.random.split(key, 4)
    x = jax.random.normal(k_x, (N_NODES, D_IN), dtype=jnp.float32)
    edge_index = jax.random.randint(k_ei, (2, N_EDGES), 0, N_NODES, dtype=jnp.int64)
    # GCNConv linear weight (PyG Linear: [out_channels, in_channels]) + bias
    bound = 1.0 / np.sqrt(D_IN)
    W = jax.random.uniform(k_w, (D_OUT, D_IN), minval=-bound, maxval=bound, dtype=jnp.float32)
    b = jax.random.uniform(k_b, (D_OUT,), minval=-bound, maxval=bound, dtype=jnp.float32)
    # LayerNorm params
    ln_gamma = jnp.ones((D_OUT,), dtype=jnp.float32)
    ln_beta = jnp.zeros((D_OUT,), dtype=jnp.float32)
    return {"x": x, "edge_index": edge_index, "W": W, "b": b, "ln_gamma": ln_gamma, "ln_beta": ln_beta}


def reference(x, edge_index, W, b, ln_gamma, ln_beta):
    N = x.shape[0]
    # --- GCNConv with add_self_loops=True, normalize=True ---
    self_idx = jnp.arange(N, dtype=edge_index.dtype)
    src = jnp.concatenate([edge_index[0], self_idx])
    dst = jnp.concatenate([edge_index[1], self_idx])
    # degree computed over destination (col) after self-loops, edge_weight = 1
    deg = jnp.zeros((N,), dtype=jnp.float32).at[dst].add(1.0)
    deg_inv_sqrt = jnp.where(deg > 0, 1.0 / jnp.sqrt(deg), 0.0)
    norm = deg_inv_sqrt[src] * deg_inv_sqrt[dst]
    # linear transform (no bias inside lin), then normalized message passing
    xw = x @ W.T
    msg = xw[src] * norm[:, None]
    agg = jax.ops.segment_sum(msg, dst, num_segments=N)
    h = agg + b
    # --- LayerNorm ---
    mean = jnp.mean(h, axis=-1, keepdims=True)
    var = jnp.mean((h - mean) ** 2, axis=-1, keepdims=True)
    h = (h - mean) / jnp.sqrt(var + 1e-5)
    h = h * ln_gamma + ln_beta
    # --- GELU (exact, matching torch default) ---
    h = 0.5 * h * (1.0 + jax.scipy.special.erf(h / jnp.sqrt(2.0)))
    # Dropout is identity in eval mode
    return h

if __name__ == "__main__":
    import jax
    _d = setup_inputs()
    print(jax.jit(kernel)(*tuple(_d.values())))

</pallas_src>

<mosaic_0001>
#map = affine_map<(d0, d1) -> (0, 0, 0)>
#map1 = affine_map<(d0, d1) -> (0, 0)>
module attributes {stable_mosaic.version = 14 : i64} {
  func.func @_deg_body(%arg0: i32, %arg1: i32, %arg2: memref<32x40x128xi32, #tpu.memory_space<hbm>>, %arg3: memref<128x128xf32, #tpu.memory_space<hbm>>, %arg4: memref<10240x128xf32, #tpu.memory_space<hbm>>, %arg5: memref<2x10240x128xf32, #tpu.memory_space<hbm>>, %arg6: memref<40x128xi32, #tpu.memory_space<vmem>>, %arg7: memref<128x128xf32, #tpu.memory_space<vmem>>, %arg8: memref<10240x128xf32, #tpu.memory_space<vmem_shared>>, %arg9: memref<!tpu.dma_semaphore, #tpu.memory_space<semaphore_mem>>) attributes {dimension_semantics = [#tpu.dimension_semantics<core_parallel>, #tpu.dimension_semantics<subcore_parallel>], iteration_bounds = array<i64: 2, 16>, scalar_prefetch = 0 : i64, scratch_operands = 4 : i64, tpu.core_type = #tpu.core_type<sc_vector_subcore>, window_params = [{transform_indices = #map}, {transform_indices = #map1}, {transform_indices = #map1}, {transform_indices = #map}]} {
    %mul3A = arith.constant 2 : i32
    %mul3A_0 = arith.muli %arg1, %mul3A : i32
    %add3A = arith.addi %mul3A_0, %arg0 : i32
    %mul3A_1 = arith.constant 640 : i32
    %mul3A_2 = arith.muli %arg1, %mul3A_1 : i32
    %mul3A_3 = arith.constant 640 : i32
    %mul3A_4 = arith.muli %arg1, %mul3A_3 : i32
    "tpu.region"() ({
      %run_scoped3A = tpu.sem_alloc : memref<!tpu.dma_semaphore, #tpu.memory_space<semaphore_mem>>
      %dma_start3A = arith.constant 0 : i32
      %dma_start3A_19 = tpu.memref_slice %arg8[%mul3A_4, %dma_start3A] : memref<10240x128xf32, #tpu.memory_space<vmem_shared>> -> memref<640x128xf32, #tpu.memory_space<vmem_shared>>
      %dma_start3A_20 = arith.constant 0 : i32
      %dma_start3A_21 = tpu.memref_slice %arg4[%mul3A_2, %dma_start3A_20] : memref<10240x128xf32, #tpu.memory_space<hbm>> -> memref<640x128xf32, #tpu.memory_space<hbm>>
      tpu.enqueue_dma source(%dma_start3A_21 : memref<640x128xf32, #tpu.memory_space<hbm>>) target(%dma_start3A_19 : memref<640x128xf32, #tpu.memory_space<vmem_shared>>) target_semaphore(%run_scoped3A : memref<!tpu.dma_semaphore, #tpu.memory_space<semaphore_mem>>)
      %dma_wait3A = arith.constant 0 : i32
      %dma_wait3A_22 = tpu.memref_slice %arg8[%mul3A_4, %dma_wait3A] : memref<10240x128xf32, #tpu.memory_space<vmem_shared>> -> memref<640x128xf32, #tpu.memory_space<vmem_shared>>
      %dma_wait3A_23 = arith.constant 0 : i32
      %dma_wait3A_24 = tpu.memref_slice %arg4[%mul3A_2, %dma_wait3A_23] : memref<10240x128xf32, #tpu.memory_space<hbm>> -> memref<640x128xf32, #tpu.memory_space<hbm>>
      tpu.wait_dma2 semaphore(%run_scoped3A : memref<!tpu.dma_semaphore, #tpu.memory_space<semaphore_mem>>) src(%dma_wait3A_24 : memref<640x128xf32, #tpu.memory_space<hbm>>) dst(%dma_wait3A_22 : memref<640x128xf32, #tpu.memory_space<vmem_shared>>)
      tpu.yield
    }) : () -> ()
    "tpu.region"() ({
      %run_scoped3A = tpu.sem_alloc : memref<!tpu.dma_semaphore, #tpu.memory_space<semaphore_mem>>
      tpu.enqueue_dma source(%arg3 : memref<128x128xf32, #tpu.memory_space<hbm>>) target(%arg7 : memref<128x128xf32, #tpu.memory_space<vmem>>) target_semaphore(%run_scoped3A : memref<!tpu.dma_semaphore, #tpu.memory_space<semaphore_mem>>)
      tpu.wait_dma2 semaphore(%run_scoped3A : memref<!tpu.dma_semaphore, #tpu.memory_space<semaphore_mem>>) src(%arg3 : memref<128x128xf32, #tpu.memory_space<hbm>>) dst(%arg7 : memref<128x128xf32, #tpu.memory_space<vmem>>)
      tpu.yield
    }) : () -> ()
    "tpu.region"() ({
      %run_scoped3A = tpu.sem_alloc : memref<!tpu.dma_semaphore, #tpu.memory_space<semaphore_mem>>
      %dma_start3A = arith.constant 0 : i32
      %dma_start3A_19 = arith.constant 0 : i32
      %dma_start3A_20 = tpu.memref_slice %arg2[%add3A, %dma_start3A, %dma_start3A_19] : memref<32x40x128xi32, #tpu.memory_space<hbm>> -> memref<1x40x128xi32, #tpu.memory_space<hbm>>
      %dma_start3A_21 = tpu.memref_squeeze %dma_start3A_20 : memref<1x40x128xi32, #tpu.memory_space<hbm>> -> memref<40x128xi32, #tpu.memory_space<hbm>>
      %dma_start3A_22 = arith.constant 0 : i32
      %dma_start3A_23 = arith.constant 0 : i32
      %dma_start3A_24 = tpu.memref_slice %arg2[%add3A, %dma_start3A_22, %dma_start3A_23] : memref<32x40x128xi32, #tpu.memory_space<hbm>> -> memref<1x40x128xi32, #tpu.memory_space<hbm>>
      %dma_start3A_25 = tpu.memref_squeeze %dma_start3A_24 : memref<1x40x128xi32, #tpu.memory_space<hbm>> -> memref<40x128xi32, #tpu.memory_space<hbm>>
      tpu.enqueue_dma source(%dma_start3A_25 : memref<40x128xi32, #tpu.memory_space<hbm>>) target(%arg6 : memref<40x128xi32, #tpu.memory_space<vmem>>) target_semaphore(%run_scoped3A : memref<!tpu.dma_semaphore, #tpu.memory_space<semaphore_mem>>)
      %dma_wait3A = arith.constant 0 : i32
      %dma_wait3A_26 = arith.constant 0 : i32
      %dma_wait3A_27 = tpu.memref_slice %arg2[%add3A, %dma_wait3A, %dma_wait3A_26] : memref<32x40x128xi32, #tpu.memory_space<hbm>> -> memref<1x40x128xi32, #tpu.memory_space<hbm>>
      %dma_wait3A_28 = tpu.memref_squeeze %dma_wait3A_27 : memref<1x40x128xi32, #tpu.memory_space<hbm>> -> memref<40x128xi32, #tpu.memory_space<hbm>>
      %dma_wait3A_29 = arith.constant 0 : i32
      %dma_wait3A_30 = arith.constant 0 : i32
      %dma_wait3A_31 = tpu.memref_slice %arg2[%add3A, %dma_wait3A_29, %dma_wait3A_30] : memref<32x40x128xi32, #tpu.memory_space<hbm>> -> memref<1x40x128xi32, #tpu.memory_space<hbm>>
      %dma_wait3A_32 = tpu.memref_squeeze %dma_wait3A_31 : memref<1x40x128xi32, #tpu.memory_space<hbm>> -> memref<40x128xi32, #tpu.memory_space<hbm>>
      tpu.wait_dma2 semaphore(%run_scoped3A : memref<!tpu.dma_semaphore, #tpu.memory_space<semaphore_mem>>) src(%dma_wait3A_32 : memref<40x128xi32, #tpu.memory_space<hbm>>) dst(%arg6 : memref<40x128xi32, #tpu.memory_space<vmem>>)
      tpu.yield
    }) : () -> ()
    %barrier3A = arith.constant 0 : index
    tpu.barrier barrier_id(%barrier3A)
    %scan3A = arith.constant 0 : i32
    %scan3A_5 = arith.constant 40 : i32
    %scan3A_6 = arith.addi %scan3A, %scan3A_5 : i32
    %scan3A_7 = arith.constant 1 : i32
    scf.for %scan3A_19 = %scan3A to %scan3A_6 step %scan3A_7  : i32 {
      %mul3A_20 = arith.constant 1 : i32
      %mul3A_21 = arith.muli %scan3A_19, %mul3A_20 : i32
      %add3A_22 = arith.constant 0 : i32
      %add3A_23 = arith.addi %add3A_22, %mul3A_21 : i32
      %dma_start3A = arith.constant 0 : i32
      %dma_start3A_24 = tpu.memref_slice %arg6[%add3A_23, %dma_start3A] : memref<40x128xi32, #tpu.memory_space<vmem>> -> memref<1x128xi32, #tpu.memory_space<vmem>>
      %dma_start3A_25 = tpu.memref_squeeze %dma_start3A_24 : memref<1x128xi32, #tpu.memory_space<vmem>> -> memref<128xi32, #tpu.memory_space<vmem>>
      %dma_start3A_26 = arith.constant 0 : i32
      %dma_start3A_27 = arith.constant 0 : i32
      %dma_start3A_28 = tpu.memref_slice %arg8[%dma_start3A_26, %dma_start3A_27] : memref<10240x128xf32, #tpu.memory_space<vmem_shared>> -> memref<10240x128xf32, #tpu.memory_space<vmem_shared>>
      tpu.enqueue_indirect_dma source(%arg7 : memref<128x128xf32, #tpu.memory_space<vmem>>) target(%dma_start3A_28 : memref<10240x128xf32, #tpu.memory_space<vmem_shared>>) offsets(%dma_start3A_25 : memref<128xi32, #tpu.memory_space<vmem>>) semaphore(%arg9 : memref<!tpu.dma_semaphore, #tpu.memory_space<semaphore_mem>>) {add = true}
    }
    %scan3A_8 = arith.constant 40 : i32
    %scan3A_9 = arith.constant 0 : i32
    %scan3A_10 = arith.constant 40 : i32
    %scan3A_11 = arith.addi %scan3A_9, %scan3A_10 : i32
    %scan3A_12 = arith.constant 1 : i32
    scf.for %scan3A_19 = %scan3A_9 to %scan3A_11 step %scan3A_12  : i32 {
      %mul3A_20 = arith.constant 1 : i32
      %mul3A_21 = arith.muli %scan3A_19, %mul3A_20 : i32
      %add3A_22 = arith.constant 0 : i32
      %add3A_23 = arith.addi %add3A_22, %mul3A_21 : i32
      %dma_wait3A = arith.constant 0 : i32
      %dma_wait3A_24 = tpu.memref_slice %arg6[%add3A_23, %dma_wait3A] : memref<40x128xi32, #tpu.memory_space<vmem>> -> memref<1x128xi32, #tpu.memory_space<vmem>>
      %dma_wait3A_25 = tpu.memref_squeeze %dma_wait3A_24 : memref<1x128xi32, #tpu.memory_space<vmem>> -> memref<128xi32, #tpu.memory_space<vmem>>
      %dma_wait3A_26 = arith.constant 0 : i32
      %dma_wait3A_27 = arith.constant 0 : i32
      %dma_wait3A_28 = tpu.memref_slice %arg8[%dma_wait3A_26, %dma_wait3A_27] : memref<10240x128xf32, #tpu.memory_space<vmem_shared>> -> memref<10240x128xf32, #tpu.memory_space<vmem_shared>>
      tpu.wait_indirect_dma semaphore(%arg9 : memref<!tpu.dma_semaphore, #tpu.memory_space<semaphore_mem>>) src(%arg7 : memref<128x128xf32, #tpu.memory_space<vmem>>) dst(%dma_wait3A_28 : memref<10240x128xf32, #tpu.memory_space<vmem_shared>>)
    }
    %scan3A_13 = arith.constant 40 : i32
    %barrier3A_14 = arith.constant 0 : index
    tpu.barrier barrier_id(%barrier3A_14)
    %mul3A_15 = arith.constant 640 : i32
    %mul3A_16 = arith.muli %arg1, %mul3A_15 : i32
    %mul3A_17 = arith.constant 640 : i32
    %mul3A_18 = arith.muli %arg1, %mul3A_17 : i32
    "tpu.region"() ({
      %run_scoped3A = tpu.sem_alloc : memref<!tpu.dma_semaphore, #tpu.memory_space<semaphore_mem>>
      %dma_start3A = arith.constant 0 : i32
      %dma_start3A_19 = tpu.memref_slice %arg5[%arg0, %mul3A_18, %dma_start3A] : memref<2x10240x128xf32, #tpu.memory_space<hbm>> -> memref<1x640x128xf32, #tpu.memory_space<hbm>>
      %dma_start3A_20 = tpu.memref_squeeze %dma_start3A_19 : memref<1x640x128xf32, #tpu.memory_space<hbm>> -> memref<640x128xf32, #tpu.memory_space<hbm>>
      %dma_start3A_21 = arith.constant 0 : i32
      %dma_start3A_22 = tpu.memref_slice %arg8[%mul3A_16, %dma_start3A_21] : memref<10240x128xf32, #tpu.memory_space<vmem_shared>> -> memref<640x128xf32, #tpu.memory_space<vmem_shared>>
      tpu.enqueue_dma source(%dma_start3A_22 : memref<640x128xf32, #tpu.memory_space<vmem_shared>>) target(%dma_start3A_20 : memref<640x128xf32, #tpu.memory_space<hbm>>) target_semaphore(%run_scoped3A : memref<!tpu.dma_semaphore, #tpu.memory_space<semaphore_mem>>)
      %dma_wait3A = arith.constant 0 : i32
      %dma_wait3A_23 = tpu.memref_slice %arg5[%arg0, %mul3A_18, %dma_wait3A] : memref<2x10240x128xf32, #tpu.memory_space<hbm>> -> memref<1x640x128xf32, #tpu.memory_space<hbm>>
      %dma_wait3A_24 = tpu.memref_squeeze %dma_wait3A_23 : memref<1x640x128xf32, #tpu.memory_space<hbm>> -> memref<640x128xf32, #tpu.memory_space<hbm>>
      %dma_wait3A_25 = arith.constant 0 : i32
      %dma_wait3A_26 = tpu.memref_slice %arg8[%mul3A_16, %dma_wait3A_25] : memref<10240x128xf32, #tpu.memory_space<vmem_shared>> -> memref<640x128xf32, #tpu.memory_space<vmem_shared>>
      tpu.wait_dma2 semaphore(%run_scoped3A : memref<!tpu.dma_semaphore, #tpu.memory_space<semaphore_mem>>) src(%dma_wait3A_26 : memref<640x128xf32, #tpu.memory_space<vmem_shared>>) dst(%dma_wait3A_24 : memref<640x128xf32, #tpu.memory_space<hbm>>)
      tpu.yield
    }) : () -> ()
    return
  }
}

#map = affine_map<(d0, d1) -> (0, 0)>
#map1 = affine_map<(d0, d1) -> (0, 0, 0)>
module attributes {stable_mosaic.version = 14 : i64} {
  func.func @_agg_body(%arg0: i32, %arg1: i32, %arg2: memref<10000x128xf32, #tpu.memory_space<hbm>>, %arg3: memref<10000x128xf32, #tpu.memory_space<hbm>>, %arg4: memref<16x80x128xi32, #tpu.memory_space<hbm>>, %arg5: memref<16x80x128xi32, #tpu.memory_space<hbm>>, %arg6: memref<10240x128xf32, #tpu.memory_space<hbm>>, %arg7: memref<2x10240x128xf32, #tpu.memory_space<hbm>>, %arg8: memref<80x128xi32, #tpu.memory_space<vmem>>, %arg9: memref<2x128xi32, #tpu.memory_space<vmem>>, %arg10: memref<128x128xf32, #tpu.memory_space<vmem>>, %arg11: memref<128x128xf32, #tpu.memory_space<vmem>>, %arg12: memref<10240x128xf32, #tpu.memory_space<vmem_shared>>, %arg13: memref<!tpu.dma_semaphore, #tpu.memory_space<semaphore_mem>>, %arg14: memref<!tpu.dma_semaphore, #tpu.memory_space<semaphore_mem>>, %arg15: memref<!tpu.dma_semaphore, #tpu.memory_space<semaphore_mem>>, %arg16: memref<!tpu.dma_semaphore, #tpu.memory_space<semaphore_mem>>, %arg17: memref<!tpu.dma_semaphore, #tpu.memory_space<semaphore_mem>>, %arg18: memref<!tpu.dma_semaphore, #tpu.memory_space<semaphore_mem>>) attributes {dimension_semantics = [#tpu.dimension_semantics<core_parallel>, #tpu.dimension_semantics<subcore_parallel>], iteration_bounds = array<i64: 2, 16>, scalar_prefetch = 0 : i64, scratch_operands = 11 : i64, tpu.core_type = #tpu.core_type<sc_vector_subcore>, window_params = [{transform_indices = #map}, {transform_indices = #map}, {transform_indices = #map1}, {transform_indices = #map1}, {transform_indices = #map}, {transform_indices = #map1}]} {
    %mul3A = arith.constant 640 : i32
    %mul3A_0 = arith.muli %arg1, %mul3A : i32
    %mul3A_1 = arith.constant 640 : i32
    %mul3A_2 = arith.muli %arg1, %mul3A_1 : i32
    "tpu.region"() ({
      %run_scoped3A = tpu.sem_alloc : memref<!tpu.dma_semaphore, #tpu.memory_space<semaphore_mem>>
      %dma_start3A = arith.constant 0 : i32
      %dma_start3A_15 = tpu.memref_slice %arg12[%mul3A_2, %dma_start3A] : memref<10240x128xf32, #tpu.memory_space<vmem_shared>> -> memref<640x128xf32, #tpu.memory_space<vmem_shared>>
      %dma_start3A_16 = arith.constant 0 : i32
      %dma_start3A_17 = tpu.memref_slice %arg6[%mul3A_0, %dma_start3A_16] : memref<10240x128xf32, #tpu.memory_space<hbm>> -> memref<640x128xf32, #tpu.memory_space<hbm>>
      tpu.enqueue_dma source(%dma_start3A_17 : memref<640x128xf32, #tpu.memory_space<hbm>>) target(%dma_start3A_15 : memref<640x128xf32, #tpu.memory_space<vmem_shared>>) target_semaphore(%run_scoped3A : memref<!tpu.dma_semaphore, #tpu.memory_space<semaphore_mem>>)
      %dma_wait3A = arith.constant 0 : i32
      %dma_wait3A_18 = tpu.memref_slice %arg12[%mul3A_2, %dma_wait3A] : memref<10240x128xf32, #tpu.memory_space<vmem_shared>> -> memref<640x128xf32, #tpu.memory_space<vmem_shared>>
      %dma_wait3A_19 = arith.constant 0 : i32
      %dma_wait3A_20 = tpu.memref_slice %arg6[%mul3A_0, %dma_wait3A_19] : memref<10240x128xf32, #tpu.memory_space<hbm>> -> memref<640x128xf32, #tpu.memory_space<hbm>>
      tpu.wait_dma2 semaphore(%run_scoped3A : memref<!tpu.dma_semaphore, #tpu.memory_space<semaphore_mem>>) src(%dma_wait3A_20 : memref<640x128xf32, #tpu.memory_space<hbm>>) dst(%dma_wait3A_18 : memref<640x128xf32, #tpu.memory_space<vmem_shared>>)
      tpu.yield
    }) : () -> ()
    "tpu.region"() ({
      %run_scoped3A = tpu.sem_alloc : memref<!tpu.dma_semaphore, #tpu.memory_space<semaphore_mem>>
      %dma_start3A = arith.constant 0 : i32
      %dma_start3A_15 = arith.constant 0 : i32
      %dma_start3A_16 = tpu.memref_slice %arg5[%arg1, %dma_start3A, %dma_start3A_15] : memref<16x80x128xi32, #tpu.memory_space<hbm>> -> memref<1x80x128xi32, #tpu.memory_space<hbm>>
      %dma_start3A_17 = tpu.memref_squeeze %dma_start3A_16 : memref<1x80x128xi32, #tpu.memory_space<hbm>> -> memref<80x128xi32, #tpu.memory_space<hbm>>
      %dma_start3A_18 = arith.constant 0 : i32
      %dma_start3A_19 = arith.constant 0 : i32
      %dma_start3A_20 = tpu.memref_slice %arg5[%arg1, %dma_start3A_18, %dma_start3A_19] : memref<16x80x128xi32, #tpu.memory_space<hbm>> -> memref<1x80x128xi32, #tpu.memory_space<hbm>>
      %dma_start3A_21 = tpu.memref_squeeze %dma_start3A_20 : memref<1x80x128xi32, #tpu.memory_space<hbm>> -> memref<80x128xi32, #tpu.memory_space<hbm>>
      tpu.enqueue_dma source(%dma_start3A_21 : memref<80x128xi32, #tpu.memory_space<hbm>>) target(%arg8 : memref<80x128xi32, #tpu.memory_space<vmem>>) target_semaphore(%run_scoped3A : memref<!tpu.dma_semaphore, #tpu.memory_space<semaphore_mem>>)
      %dma_wait3A = arith.constant 0 : i32
      %dma_wait3A_22 = arith.constant 0 : i32
      %dma_wait3A_23 = tpu.memref_slice %arg5[%arg1, %dma_wait3A, %dma_wait3A_22] : memref<16x80x128xi32, #tpu.memory_space<hbm>> -> memref<1x80x128xi32, #tpu.memory_space<hbm>>
      %dma_wait3A_24 = tpu.memref_squeeze %dma_wait3A_23 : memref<1x80x128xi32, #tpu.memory_space<hbm>> -> memref<80x128xi32, #tpu.memory_space<hbm>>
      %dma_wait3A_25 = arith.constant 0 : i32
      %dma_wait3A_26 = arith.constant 0 : i32
      %dma_wait3A_27 = tpu.memref_slice %arg5[%arg1, %dma_wait3A_25, %dma_wait3A_26] : memref<16x80x128xi32, #tpu.memory_space<hbm>> -> memref<1x80x128xi32, #tpu.memory_space<hbm>>
      %dma_wait3A_28 = tpu.memref_squeeze %dma_wait3A_27 : memref<1x80x128xi32, #tpu.memory_space<hbm>> -> memref<80x128xi32, #tpu.memory_space<hbm>>
      tpu.wait_dma2 semaphore(%run_scoped3A : memref<!tpu.dma_semaphore, #tpu.memory_space<semaphore_mem>>) src(%dma_wait3A_28 : memref<80x128xi32, #tpu.memory_space<hbm>>) dst(%arg8 : memref<80x128xi32, #tpu.memory_space<vmem>>)
      tpu.yield
    }) : () -> ()
    %barrier3A = arith.constant 0 : index
    tpu.barrier barrier_id(%barrier3A)
    %eq3A = arith.constant 0 : i32
    %eq3A_3 = arith.cmpi eq, %arg0, %eq3A : i32
    %convert_element_type3A = arith.extui %eq3A_3 : i1 to i32
    %cond3A = arith.constant 0 : i32
    %cond3A_4 = arith.cmpi ne, %convert_element_type3A, %cond3A : i32
    scf.if %cond3A_4 {
      %dma_start3A = arith.constant 0 : i32
      %dma_start3A_15 = arith.constant 0 : i32
      %dma_start3A_16 = arith.constant 0 : i32
      %dma_start3A_17 = tpu.memref_slice %arg9[%dma_start3A_15, %dma_start3A_16] : memref<2x128xi32, #tpu.memory_space<vmem>> -> memref<1x128xi32, #tpu.memory_space<vmem>>
      %dma_start3A_18 = tpu.memref_squeeze %dma_start3A_17 : memref<1x128xi32, #tpu.memory_space<vmem>> -> memref<128xi32, #tpu.memory_space<vmem>>
      %dma_start3A_19 = arith.constant 0 : i32
      %dma_start3A_20 = tpu.memref_slice %arg4[%arg1, %dma_start3A, %dma_start3A_19] : memref<16x80x128xi32, #tpu.memory_space<hbm>> -> memref<1x1x128xi32, #tpu.memory_space<hbm>>
      %dma_start3A_21 = tpu.memref_squeeze %dma_start3A_20 : memref<1x1x128xi32, #tpu.memory_space<hbm>> -> memref<128xi32, #tpu.memory_space<hbm>>
      %dma_start3A_22 = arith.constant 0 : i32
      %dma_start3A_23 = tpu.memref_slice %arg9[%dma_start3A_15, %dma_start3A_22] : memref<2x128xi32, #tpu.memory_space<vmem>> -> memref<1x128xi32, #tpu.memory_space<vmem>>
      %dma_start3A_24 = tpu.memref_squeeze %dma_start3A_23 : memref<1x128xi32, #tpu.memory_space<vmem>> -> memref<128xi32, #tpu.memory_space<vmem>>
      %dma_start3A_25 = arith.constant 0 : i32
      %dma_start3A_26 = tpu.memref_slice %arg4[%arg1, %dma_start3A, %dma_start3A_25] : memref<16x80x128xi32, #tpu.memory_space<hbm>> -> memref<1x1x128xi32, #tpu.memory_space<hbm>>
      %dma_start3A_27 = tpu.memref_squeeze %dma_start3A_26 : memref<1x1x128xi32, #tpu.memory_space<hbm>> -> memref<128xi32, #tpu.memory_space<hbm>>
      tpu.enqueue_dma source(%dma_start3A_27 : memref<128xi32, #tpu.memory_space<hbm>>) target(%dma_start3A_24 : memref<128xi32, #tpu.memory_space<vmem>>) target_semaphore(%arg13 : memref<!tpu.dma_semaphore, #tpu.memory_space<semaphore_mem>>)
      %dma_start3A_28 = arith.constant 1 : i32
      %dma_start3A_29 = arith.constant 1 : i32
      %dma_start3A_30 = arith.constant 0 : i32
      %dma_start3A_31 = tpu.memref_slice %arg9[%dma_start3A_29, %dma_start3A_30] : memref<2x128xi32, #tpu.memory_space<vmem>> -> memref<1x128xi32, #tpu.memory_space<vmem>>
      %dma_start3A_32 = tpu.memref_squeeze %dma_start3A_31 : memref<1x128xi32, #tpu.memory_space<vmem>> -> memref<128xi32, #tpu.memory_space<vmem>>
      %dma_start3A_33 = arith.constant 0 : i32
      %dma_start3A_34 = tpu.memref_slice %arg4[%arg1, %dma_start3A_28, %dma_start3A_33] : memref<16x80x128xi32, #tpu.memory_space<hbm>> -> memref<1x1x128xi32, #tpu.memory_space<hbm>>
      %dma_start3A_35 = tpu.memref_squeeze %dma_start3A_34 : memref<1x1x128xi32, #tpu.memory_space<hbm>> -> memref<128xi32, #tpu.memory_space<hbm>>
      %dma_start3A_36 = arith.constant 0 : i32
      %dma_start3A_37 = tpu.memref_slice %arg9[%dma_start3A_29, %dma_start3A_36] : memref<2x128xi32, #tpu.memory_space<vmem>> -> memref<1x128xi32, #tpu.memory_space<vmem>>
      %dma_start3A_38 = tpu.memref_squeeze %dma_start3A_37 : memref<1x128xi32, #tpu.memory_space<vmem>> -> memref<128xi32, #tpu.memory_space<vmem>>
      %dma_start3A_39 = arith.constant 0 : i32
      %dma_start3A_40 = tpu.memref_slice %arg4[%arg1, %dma_start3A_28, %dma_start3A_39] : memref<16x80x128xi32, #tpu.memory_space<hbm>> -> memref<1x1x128xi32, #tpu.memory_space<hbm>>
      %dma_start3A_41 = tpu.memref_squeeze %dma_start3A_40 : memref<1x1x128xi32, #tpu.memory_space<hbm>> -> memref<128xi32, #tpu.memory_space<hbm>>
      tpu.enqueue_dma source(%dma_start3A_41 : memref<128xi32, #tpu.memory_space<hbm>>) target(%dma_start3A_38 : memref<128xi32, #tpu.memory_space<vmem>>) target_semaphore(%arg14 : memref<!tpu.dma_semaphore, #tpu.memory_space<semaphore_mem>>)
      %dma_wait3A = arith.constant 0 : i32
      %dma_wait3A_42 = arith.constant 0 : i32
      %dma_wait3A_43 = arith.constant 0 : i32
      %dma_wait3A_44 = tpu.memref_slice %arg9[%dma_wait3A_42, %dma_wait3A_43] : memref<2x128xi32, #tpu.memory_space<vmem>> -> memref<1x128xi32, #tpu.memory_space<vmem>>
      %dma_wait3A_45 = tpu.memref_squeeze %dma_wait3A_44 : memref<1x128xi32, #tpu.memory_space<vmem>> -> memref<128xi32, #tpu.memory_space<vmem>>
      %dma_wait3A_46 = arith.constant 0 : i32
      %dma_wait3A_47 = tpu.memref_slice %arg4[%arg1, %dma_wait3A, %dma_wait3A_46] : memref<16x80x128xi32, #tpu.memory_space<hbm>> -> memref<1x1x128xi32, #tpu.memory_space<hbm>>
      %dma_wait3A_48 = tpu.memref_squeeze %dma_wait3A_47 : memref<1x1x128xi32, #tpu.memory_space<hbm>> -> memref<128xi32, #tpu.memory_space<hbm>>
      %dma_wait3A_49 = arith.constant 0 : i32
      %dma_wait3A_50 = tpu.memref_slice %arg9[%dma_wait3A_42, %dma_wait3A_49] : memref<2x128xi32, #tpu.memory_space<vmem>> -> memref<1x128xi32, #tpu.memory_space<vmem>>
      %dma_wait3A_51 = tpu.memref_squeeze %dma_wait3A_50 : memref<1x128xi32, #tpu.memory_space<vmem>> -> memref<128xi32, #tpu.memory_space<vmem>>
      %dma_wait3A_52 = arith.constant 0 : i32
      %dma_wait3A_53 = tpu.memref_slice %arg4[%arg1, %dma_wait3A, %dma_wait3A_52] : memref<16x80x128xi32, #tpu.memory_space<hbm>> -> memref<1x1x128xi32, #tpu.memory_space<hbm>>
      %dma_wait3A_54 = tpu.memref_squeeze %dma_wait3A_53 : memref<1x1x128xi32, #tpu.memory_space<hbm>> -> memref<128xi32, #tpu.memory_space<hbm>>
      tpu.wait_dma2 semaphore(%arg13 : memref<!tpu.dma_semaphore, #tpu.memory_space<semaphore_mem>>) src(%dma_wait3A_54 : memref<128xi32, #tpu.memory_space<hbm>>) dst(%dma_wait3A_51 : memref<128xi32, #tpu.memory_space<vmem>>)
      %dma_start3A_55 = arith.constant 0 : i32
      %dma_start3A_56 = arith.constant 0 : i32
      %dma_start3A_57 = tpu.memref_slice %arg9[%dma_start3A_55, %dma_start3A_56] : memref<2x128xi32, #tpu.memory_space<vmem>> -> memref<1x128xi32, #tpu.memory_space<vmem>>
      %dma_start3A_58 = tpu.memref_squeeze %dma_start3A_57 : memref<1x128xi32, #tpu.memory_space<vmem>> -> memref<128xi32, #tpu.memory_space<vmem>>
      %dma_start3A_59 = arith.constant 0 : i32
      %dma_start3A_60 = arith.constant 0 : i32
      %dma_start3A_61 = tpu.memref_slice %arg2[%dma_start3A_59, %dma_start3A_60] : memref<10000x128xf32, #tpu.memory_space<hbm>> -> memref<10000x128xf32, #tpu.memory_space<hbm>>
      tpu.enqueue_indirect_dma source(%dma_start3A_61 : memref<10000x128xf32, #tpu.memory_space<hbm>>) target(%arg10 : memref<128x128xf32, #tpu.memory_space<vmem>>) offsets(%dma_start3A_58 : memref<128xi32, #tpu.memory_space<vmem>>) semaphore(%arg15 : memref<!tpu.dma_semaphore, #tpu.memory_space<semaphore_mem>>)
      %scan3A = arith.constant 0 : i32
      %scan3A_62 = arith.constant 40 : i32
      %scan3A_63 = arith.addi %scan3A, %scan3A_62 : i32
      %scan3A_64 = arith.constant 1 : i32
      scf.for %scan3A_80 = %scan3A to %scan3A_63 step %scan3A_64  : i32 {
        %mul3A_81 = arith.constant 2 : i32
        %mul3A_82 = arith.muli %scan3A_80, %mul3A_81 : i32
        %add3A = arith.constant 0 : i32
        %add3A_83 = arith.addi %add3A, %mul3A_82 : i32
        %gt3A = arith.constant 0 : i32
        %gt3A_84 = arith.cmpi sgt, %add3A_83, %gt3A : i32
        %convert_element_type3A_85 = arith.extui %gt3A_84 : i1 to i32
        %cond3A_86 = arith.constant 0 : i32
        %cond3A_87 = arith.cmpi ne, %convert_element_type3A_85, %cond3A_86 : i32
        scf.if %cond3A_87 {
          %sub3A = arith.constant 1 : i32
          %sub3A_158 = arith.subi %add3A_83, %sub3A : i32
          %dma_wait3A_159 = arith.constant 0 : i32
          %dma_wait3A_160 = tpu.memref_slice %arg8[%sub3A_158, %dma_wait3A_159] : memref<80x128xi32, #tpu.memory_space<vmem>> -> memref<1x128xi32, #tpu.memory_space<vmem>>
          %dma_wait3A_161 = tpu.memref_squeeze %dma_wait3A_160 : memref<1x128xi32, #tpu.memory_space<vmem>> -> memref<128xi32, #tpu.memory_space<vmem>>
          %dma_wait3A_162 = arith.constant 0 : i32
          %dma_wait3A_163 = arith.constant 0 : i32
          %dma_wait3A_164 = tpu.memref_slice %arg12[%dma_wait3A_162, %dma_wait3A_163] : memref<10240x128xf32, #tpu.memory_space<vmem_shared>> -> memref<10240x128xf32, #tpu.memory_space<vmem_shared>>
          tpu.wait_indirect_dma semaphore(%arg18 : memref<!tpu.dma_semaphore, #tpu.memory_space<semaphore_mem>>) src(%arg11 : memref<128x128xf32, #tpu.memory_space<vmem>>) dst(%dma_wait3A_164 : memref<10240x128xf32, #tpu.memory_space<vmem_shared>>)
        } else {
        }
        %add3A_88 = arith.constant 1 : i32
        %add3A_89 = arith.addi %add3A_83, %add3A_88 : i32
        %dma_wait3A_90 = arith.constant 1 : i32
        %dma_wait3A_91 = arith.constant 0 : i32
        %dma_wait3A_92 = tpu.memref_slice %arg9[%dma_wait3A_90, %dma_wait3A_91] : memref<2x128xi32, #tpu.memory_space<vmem>> -> memref<1x128xi32, #tpu.memory_space<vmem>>
        %dma_wait3A_93 = tpu.memref_squeeze %dma_wait3A_92 : memref<1x128xi32, #tpu.memory_space<vmem>> -> memref<128xi32, #tpu.memory_space<vmem>>
        %dma_wait3A_94 = arith.constant 0 : i32
        %dma_wait3A_95 = tpu.memref_slice %arg4[%arg1, %add3A_89, %dma_wait3A_94] : memref<16x80x128xi32, #tpu.memory_space<hbm>> -> memref<1x1x128xi32, #tpu.memory_space<hbm>>
        %dma_wait3A_96 = tpu.memref_squeeze %dma_wait3A_95 : memref<1x1x128xi32, #tpu.memory_space<hbm>> -> memref<128xi32, #tpu.memory_space<hbm>>
        %dma_wait3A_97 = arith.constant 0 : i32
        %dma_wait3A_98 = tpu.memref_slice %arg9[%dma_wait3A_90, %dma_wait3A_97] : memref<2x128xi32, #tpu.memory_space<vmem>> -> memref<1x128xi32, #tpu.memory_space<vmem>>
        %dma_wait3A_99 = tpu.memref_squeeze %dma_wait3A_98 : memref<1x128xi32, #tpu.memory_space<vmem>> -> memref<128xi32, #tpu.memory_space<vmem>>
        %dma_wait3A_100 = arith.constant 0 : i32
        %dma_wait3A_101 = tpu.memref_slice %arg4[%arg1, %add3A_89, %dma_wait3A_100] : memref<16x80x128xi32, #tpu.memory_space<hbm>> -> memref<1x1x128xi32, #tpu.memory_space<hbm>>
        %dma_wait3A_102 = tpu.memref_squeeze %dma_wait3A_101 : memref<1x1x128xi32, #tpu.memory_space<hbm>> -> memref<128xi32, #tpu.memory_space<hbm>>
        tpu.wait_dma2 semaphore(%arg14 : memref<!tpu.dma_semaphore, #tpu.memory_space<semaphore_mem>>) src(%dma_wait3A_102 : memref<128xi32, #tpu.memory_space<hbm>>) dst(%dma_wait3A_99 : memref<128xi32, #tpu.memory_space<vmem>>)
        %dma_start3A_103 = arith.constant 1 : i32
        %dma_start3A_104 = arith.constant 0 : i32
        %dma_start3A_105 = tpu.memref_slice %arg9[%dma_start3A_103, %dma_start3A_104] : memref<2x128xi32, #tpu.memory_space<vmem>> -> memref<1x128xi32, #tpu.memory_space<vmem>>
        %dma_start3A_106 = tpu.memref_squeeze %dma_start3A_105 : memref<1x128xi32, #tpu.memory_space<vmem>> -> memref<128xi32, #tpu.memory_space<vmem>>
        %dma_start3A_107 = arith.constant 0 : i32
        %dma_start3A_108 = arith.constant 0 : i32
        %dma_start3A_109 = tpu.memref_slice %arg2[%dma_start3A_107, %dma_start3A_108] : memref<10000x128xf32, #tpu.memory_space<hbm>> -> memref<10000x128xf32, #tpu.memory_space<hbm>>
        tpu.enqueue_indirect_dma source(%dma_start3A_109 : memref<10000x128xf32, #tpu.memory_space<hbm>>) target(%arg11 : memref<128x128xf32, #tpu.memory_space<vmem>>) offsets(%dma_start3A_106 : memref<128xi32, #tpu.memory_space<vmem>>) semaphore(%arg16 : memref<!tpu.dma_semaphore, #tpu.memory_space<semaphore_mem>>)
        %dma_wait3A_110 = arith.constant 0 : i32
        %dma_wait3A_111 = arith.constant 0 : i32
        %dma_wait3A_112 = tpu.memref_slice %arg9[%dma_wait3A_110, %dma_wait3A_111] : memref<2x128xi32, #tpu.memory_space<vmem>> -> memref<1x128xi32, #tpu.memory_space<vmem>>
        %dma_wait3A_113 = tpu.memref_squeeze %dma_wait3A_112 : memref<1x128xi32, #tpu.memory_space<vmem>> -> memref<128xi32, #tpu.memory_space<vmem>>
        %dma_wait3A_114 = arith.constant 0 : i32
        %dma_wait3A_115 = arith.constant 0 : i32
        %dma_wait3A_116 = tpu.memref_slice %arg2[%dma_wait3A_114, %dma_wait3A_115] : memref<10000x128xf32, #tpu.memory_space<hbm>> -> memref<10000x128xf32, #tpu.memory_space<hbm>>
        tpu.wait_indirect_dma semaphore(%arg15 : memref<!tpu.dma_semaphore, #tpu.memory_space<semaphore_mem>>) src(%dma_wait3A_116 : memref<10000x128xf32, #tpu.memory_space<hbm>>) dst(%arg10 : memref<128x128xf32, #tpu.memory_space<vmem>>)
        %add3A_117 = arith.constant 2 : i32
        %add3A_118 = arith.addi %add3A_83, %add3A_117 : i32
        %lt3A = arith.constant 80 : i32
        %lt3A_119 = arith.cmpi slt, %add3A_118, %lt3A : i32
        %convert_element_type3A_120 = arith.extui %lt3A_119 : i1 to i32
        %cond3A_121 = arith.constant 0 : i32
        %cond3A_122 = arith.cmpi ne, %convert_element_type3A_120, %cond3A_121 : i32
        scf.if %cond3A_122 {
          %add3A_158 = arith.constant 2 : i32
          %add3A_159 = arith.addi %add3A_83, %add3A_158 : i32
          %dma_start3A_160 = arith.constant 0 : i32
          %dma_start3A_161 = arith.constant 0 : i32
          %dma_start3A_162 = tpu.memref_slice %arg9[%dma_start3A_160, %dma_start3A_161] : memref<2x128xi32, #tpu.memory_space<vmem>> -> memref<1x128xi32, #tpu.memory_space<vmem>>
          %dma_start3A_163 = tpu.memref_squeeze %dma_start3A_162 : memref<1x128xi32, #tpu.memory_space<vmem>> -> memref<128xi32, #tpu.memory_space<vmem>>
          %dma_start3A_164 = arith.constant 0 : i32
          %dma_start3A_165 = tpu.memref_slice %arg4[%arg1, %add3A_159, %dma_start3A_164] : memref<16x80x128xi32, #tpu.memory_space<hbm>> -> memref<1x1x128xi32, #tpu.memory_space<hbm>>
          %dma_start3A_166 = tpu.memref_squeeze %dma_start3A_165 : memref<1x1x128xi32, #tpu.memory_space<hbm>> -> memref<128xi32, #tpu.memory_space<hbm>>
          %dma_start3A_167 = arith.constant 0 : i32
          %dma_start3A_168 = tpu.memref_slice %arg9[%dma_start3A_160, %dma_start3A_167] : memref<2x128xi32, #tpu.memory_space<vmem>> -> memref<1x128xi32, #tpu.memory_space<vmem>>
          %dma_start3A_169 = tpu.memref_squeeze %dma_start3A_168 : memref<1x128xi32, #tpu.memory_space<vmem>> -> memref<128xi32, #tpu.memory_space<vmem>>
          %dma_start3A_170 = arith.constant 0 : i32
          %dma_start3A_171 = tpu.memref_slice %arg4[%arg1, %add3A_159, %dma_start3A_170] : memref<16x80x128xi32, #tpu.memory_space<hbm>> -> memref<1x1x128xi32, #tpu.memory_space<hbm>>
          %dma_start3A_172 = tpu.memref_squeeze %dma_start3A_171 : memref<1x1x128xi32, #tpu.memory_space<hbm>> -> memref<128xi32, #tpu.memory_space<hbm>>
          tpu.enqueue_dma source(%dma_start3A_172 : memref<128xi32, #tpu.memory_space<hbm>>) target(%dma_start3A_169 : memref<128xi32, #tpu.memory_space<vmem>>) target_semaphore(%arg13 : memref<!tpu.dma_semaphore, #tpu.memory_space<semaphore_mem>>)
        } else {
        }
        %dma_start3A_123 = arith.constant 0 : i32
        %dma_start3A_124 = tpu.memref_slice %arg8[%add3A_83, %dma_start3A_123] : memref<80x128xi32, #tpu.memory_space<vmem>> -> memref<1x128xi32, #tpu.memory_space<vmem>>
        %dma_start3A_125 = tpu.memref_squeeze %dma_start3A_124 : memref<1x128xi32, #tpu.memory_space<vmem>> -> memref<128xi32, #tpu.memory_space<vmem>>
        %dma_start3A_126 = arith.constant 0 : i32
        %dma_start3A_127 = arith.constant 0 : i32
        %dma_start3A_128 = tpu.memref_slice %arg12[%dma_start3A_126, %dma_start3A_127] : memref<10240x128xf32, #tpu.memory_space<vmem_shared>> -> memref<10240x128xf32, #tpu.memory_space<vmem_shared>>
        tpu.enqueue_indirect_dma source(%arg10 : memref<128x128xf32, #tpu.memory_space<vmem>>) target(%dma_start3A_128 : memref<10240x128xf32, #tpu.memory_space<vmem_shared>>) offsets(%dma_start3A_125 : memref<128xi32, #tpu.memory_space<vmem>>) semaphore(%arg17 : memref<!tpu.dma_semaphore, #tpu.memory_space<semaphore_mem>>) {add = true}
        %dma_wait3A_129 = arith.constant 1 : i32
        %dma_wait3A_130 = arith.constant 0 : i32
        %dma_wait3A_131 = tpu.memref_slice %arg9[%dma_wait3A_129, %dma_wait3A_130] : memref<2x128xi32, #tpu.memory_space<vmem>> -> memref<1x128xi32, #tpu.memory_space<vmem>>
        %dma_wait3A_132 = tpu.memref_squeeze %dma_wait3A_131 : memref<1x128xi32, #tpu.memory_space<vmem>> -> memref<128xi32, #tpu.memory_space<vmem>>
        %dma_wait3A_133 = arith.constant 0 : i32
        %dma_wait3A_134 = arith.constant 0 : i32
        %dma_wait3A_135 = tpu.memref_slice %arg2[%dma_wait3A_133, %dma_wait3A_134] : memref<10000x128xf32, #tpu.memory_space<hbm>> -> memref<10000x128xf32, #tpu.memory_space<hbm>>
        tpu.wait_indirect_dma semaphore(%arg16 : memref<!tpu.dma_semaphore, #tpu.memory_space<semaphore_mem>>) src(%dma_wait3A_135 : memref<10000x128xf32, #tpu.memory_space<hbm>>) dst(%arg11 : memref<128x128xf32, #tpu.memory_space<vmem>>)
        %add3A_136 = arith.constant 3 : i32
        %add3A_137 = arith.addi %add3A_83, %add3A_136 : i32
        %lt3A_138 = arith.constant 80 : i32
        %lt3A_139 = arith.cmpi slt, %add3A_137, %lt3A_138 : i32
        %convert_element_type3A_140 = arith.extui %lt3A_139 : i1 to i32
        %cond3A_141 = arith.constant 0 : i32
        %cond3A_142 = arith.cmpi ne, %convert_element_type3A_140, %cond3A_141 : i32
        scf.if %cond3A_142 {
          %add3A_158 = arith.constant 3 : i32
          %add3A_159 = arith.addi %add3A_83, %add3A_158 : i32
          %dma_start3A_160 = arith.constant 1 : i32
          %dma_start3A_161 = arith.constant 0 : i32
          %dma_start3A_162 = tpu.memref_slice %arg9[%dma_start3A_160, %dma_start3A_161] : memref<2x128xi32, #tpu.memory_space<vmem>> -> memref<1x128xi32, #tpu.memory_space<vmem>>
          %dma_start3A_163 = tpu.memref_squeeze %dma_start3A_162 : memref<1x128xi32, #tpu.memory_space<vmem>> -> memref<128xi32, #tpu.memory_space<vmem>>
          %dma_start3A_164 = arith.constant 0 : i32
          %dma_start3A_165 = tpu.memref_slice %arg4[%arg1, %add3A_159, %dma_start3A_164] : memref<16x80x128xi32, #tpu.memory_space<hbm>> -> memref<1x1x128xi32, #tpu.memory_space<hbm>>
          %dma_start3A_166 = tpu.memref_squeeze %dma_start3A_165 : memref<1x1x128xi32, #tpu.memory_space<hbm>> -> memref<128xi32, #tpu.memory_space<hbm>>
          %dma_start3A_167 = arith.constant 0 : i32
          %dma_start3A_168 = tpu.memref_slice %arg9[%dma_start3A_160, %dma_start3A_167] : memref<2x128xi32, #tpu.memory_space<vmem>> -> memref<1x128xi32, #tpu.memory_space<vmem>>
          %dma_start3A_169 = tpu.memref_squeeze %dma_start3A_168 : memref<1x128xi32, #tpu.memory_space<vmem>> -> memref<128xi32, #tpu.memory_space<vmem>>
          %dma_start3A_170 = arith.constant 0 : i32
          %dma_start3A_171 = tpu.memref_slice %arg4[%arg1, %add3A_159, %dma_start3A_170] : memref<16x80x128xi32, #tpu.memory_space<hbm>> -> memref<1x1x128xi32, #tpu.memory_space<hbm>>
          %dma_start3A_172 = tpu.memref_squeeze %dma_start3A_171 : memref<1x1x128xi32, #tpu.memory_space<hbm>> -> memref<128xi32, #tpu.memory_space<hbm>>
          tpu.enqueue_dma source(%dma_start3A_172 : memref<128xi32, #tpu.memory_space<hbm>>) target(%dma_start3A_169 : memref<128xi32, #tpu.memory_space<vmem>>) target_semaphore(%arg14 : memref<!tpu.dma_semaphore, #tpu.memory_space<semaphore_mem>>)
        } else {
        }
        %add3A_143 = arith.constant 1 : i32
        %add3A_144 = arith.addi %add3A_83, %add3A_143 : i32
        %dma_start3A_145 = arith.constant 0 : i32
        %dma_start3A_146 = tpu.memref_slice %arg8[%add3A_144, %dma_start3A_145] : memref<80x128xi32, #tpu.memory_space<vmem>> -> memref<1x128xi32, #tpu.memory_space<vmem>>
        %dma_start3A_147 = tpu.memref_squeeze %dma_start3A_146 : memref<1x128xi32, #tpu.memory_space<vmem>> -> memref<128xi32, #tpu.memory_space<vmem>>
        %dma_start3A_148 = arith.constant 0 : i32
        %dma_start3A_149 = arith.constant 0 : i32
        %dma_start3A_150 = tpu.memref_slice %arg12[%dma_start3A_148, %dma_start3A_149] : memref<10240x128xf32, #tpu.memory_space<vmem_shared>> -> memref<10240x128xf32, #tpu.memory_space<vmem_shared>>
        tpu.enqueue_indirect_dma source(%arg11 : memref<128x128xf32, #tpu.memory_space<vmem>>) target(%dma_start3A_150 : memref<10240x128xf32, #tpu.memory_space<vmem_shared>>) offsets(%dma_start3A_147 : memref<128xi32, #tpu.memory_space<vmem>>) semaphore(%arg18 : memref<!tpu.dma_semaphore, #tpu.memory_space<semaphore_mem>>) {add = true}
        %add3A_151 = arith.constant 2 : i32
        %add3A_152 = arith.addi %add3A_83, %add3A_151 : i32
        %lt3A_153 = arith.constant 80 : i32
        %lt3A_154 = arith.cmpi slt, %add3A_152, %lt3A_153 : i32
        %convert_element_type3A_155 = arith.extui %lt3A_154 : i1 to i32
        %cond3A_156 = arith.constant 0 : i32
        %cond3A_157 = arith.cmpi ne, %convert_element_type3A_155, %cond3A_156 : i32
        scf.if %cond3A_157 {
          %dma_wait3A_158 = arith.constant 0 : i32
          %dma_wait3A_159 = tpu.memref_slice %arg8[%add3A_83, %dma_wait3A_158] : memref<80x128xi32, #tpu.memory_space<vmem>> -> memref<1x128xi32, #tpu.memory_space<vmem>>
          %dma_wait3A_160 = tpu.memref_squeeze %dma_wait3A_159 : memref<1x128xi32, #tpu.memory_space<vmem>> -> memref<128xi32, #tpu.memory_space<vmem>>
          %dma_wait3A_161 = arith.constant 0 : i32
          %dma_wait3A_162 = arith.constant 0 : i32
          %dma_wait3A_163 = tpu.memref_slice %arg12[%dma_wait3A_161, %dma_wait3A_162] : memref<10240x128xf32, #tpu.memory_space<vmem_shared>> -> memref<10240x128xf32, #tpu.memory_space<vmem_shared>>
          tpu.wait_indirect_dma semaphore(%arg17 : memref<!tpu.dma_semaphore, #tpu.memory_space<semaphore_mem>>) src(%arg10 : memref<128x128xf32, #tpu.memory_space<vmem>>) dst(%dma_wait3A_163 : memref<10240x128xf32, #tpu.memory_space<vmem_shared>>)
          %add3A_164 = arith.constant 2 : i32
          %add3A_165 = arith.addi %add3A_83, %add3A_164 : i32
          %dma_wait3A_166 = arith.constant 0 : i32
          %dma_wait3A_167 = arith.constant 0 : i32
          %dma_wait3A_168 = tpu.memref_slice %arg9[%dma_wait3A_166, %dma_wait3A_167] : memref<2x128xi32, #tpu.memory_space<vmem>> -> memref<1x128xi32, #tpu.memory_space<vmem>>
          %dma_wait3A_169 = tpu.memref_squeeze %dma_wait3A_168 : memref<1x128xi32, #tpu.memory_space<vmem>> -> memref<128xi32, #tpu.memory_space<vmem>>
          %dma_wait3A_170 = arith.constant 0 : i32
          %dma_wait3A_171 = tpu.memref_slice %arg4[%arg1, %add3A_165, %dma_wait3A_170] : memref<16x80x128xi32, #tpu.memory_space<hbm>> -> memref<1x1x128xi32, #tpu.memory_space<hbm>>
          %dma_wait3A_172 = tpu.memref_squeeze %dma_wait3A_171 : memref<1x1x128xi32, #tpu.memory_space<hbm>> -> memref<128xi32, #tpu.memory_space<hbm>>
          %dma_wait3A_173 = arith.constant 0 : i32
          %dma_wait3A_174 = tpu.memref_slice %arg9[%dma_wait3A_166, %dma_wait3A_173] : memref<2x128xi32, #tpu.memory_space<vmem>> -> memref<1x128xi32, #tpu.memory_space<vmem>>
          %dma_wait3A_175 = tpu.memref_squeeze %dma_wait3A_174 : memref<1x128xi32, #tpu.memory_space<vmem>> -> memref<128xi32, #tpu.memory_space<vmem>>
          %dma_wait3A_176 = arith.constant 0 : i32
          %dma_wait3A_177 = tpu.memref_slice %arg4[%arg1, %add3A_165, %dma_wait3A_176] : memref<16x80x128xi32, #tpu.memory_space<hbm>> -> memref<1x1x128xi32, #tpu.memory_space<hbm>>
          %dma_wait3A_178 = tpu.memref_squeeze %dma_wait3A_177 : memref<1x1x128xi32, #tpu.memory_space<hbm>> -> memref<128xi32, #tpu.memory_space<hbm>>
          tpu.wait_dma2 semaphore(%arg13 : memref<!tpu.dma_semaphore, #tpu.memory_space<semaphore_mem>>) src(%dma_wait3A_178 : memref<128xi32, #tpu.memory_space<hbm>>) dst(%dma_wait3A_175 : memref<128xi32, #tpu.memory_space<vmem>>)
          %dma_start3A_179 = arith.constant 0 : i32
          %dma_start3A_180 = arith.constant 0 : i32
          %dma_start3A_181 = tpu.memref_slice %arg9[%dma_start3A_179, %dma_start3A_180] : memref<2x128xi32, #tpu.memory_space<vmem>> -> memref<1x128xi32, #tpu.memory_space<vmem>>
          %dma_start3A_182 = tpu.memref_squeeze %dma_start3A_181 : memref<1x128xi32, #tpu.memory_space<vmem>> -> memref<128xi32, #tpu.memory_space<vmem>>
          %dma_start3A_183 = arith.constant 0 : i32
          %dma_start3A_184 = arith.constant 0 : i32
          %dma_start3A_185 = tpu.memref_slice %arg2[%dma_start3A_183, %dma_start3A_184] : memref<10000x128xf32, #tpu.memory_space<hbm>> -> memref<10000x128xf32, #tpu.memory_space<hbm>>
          tpu.enqueue_indirect_dma source(%dma_start3A_185 : memref<10000x128xf32, #tpu.memory_space<hbm>>) target(%arg10 : memref<128x128xf32, #tpu.memory_space<vmem>>) offsets(%dma_start3A_182 : memref<128xi32, #tpu.memory_space<vmem>>) semaphore(%arg15 : memref<!tpu.dma_semaphore, #tpu.memory_space<semaphore_mem>>)
        } else {
        }
      }
      %scan3A_65 = arith.constant 40 : i32
      %dma_wait3A_66 = arith.constant 78 : i32
      %dma_wait3A_67 = arith.constant 0 : i32
      %dma_wait3A_68 = tpu.memref_slice %arg8[%dma_wait3A_66, %dma_wait3A_67] : memref<80x128xi32, #tpu.memory_space<vmem>> -> memref<1x128xi32, #tpu.memory_space<vmem>>
      %dma_wait3A_69 = tpu.memref_squeeze %dma_wait3A_68 : memref<1x128xi32, #tpu.memory_space<vmem>> -> memref<128xi32, #tpu.memory_space<vmem>>
      %dma_wait3A_70 = arith.constant 0 : i32
      %dma_wait3A_71 = arith.constant 0 : i32
      %dma_wait3A_72 = tpu.memref_slice %arg12[%dma_wait3A_70, %dma_wait3A_71] : memref<10240x128xf32, #tpu.memory_space<vmem_shared>> -> memref<10240x128xf32, #tpu.memory_space<vmem_shared>>
      tpu.wait_indirect_dma semaphore(%arg17 : memref<!tpu.dma_semaphore, #tpu.memory_space<semaphore_mem>>) src(%arg10 : memref<128x128xf32, #tpu.memory_space<vmem>>) dst(%dma_wait3A_72 : memref<10240x128xf32, #tpu.memory_space<vmem_shared>>)
      %dma_wait3A_73 = arith.constant 79 : i32
      %dma_wait3A_74 = arith.constant 0 : i32
      %dma_wait3A_75 = tpu.memref_slice %arg8[%dma_wait3A_73, %dma_wait3A_74] : memref<80x128xi32, #tpu.memory_space<vmem>> -> memref<1x128xi32, #tpu.memory_space<vmem>>
      %dma_wait3A_76 = tpu.memref_squeeze %dma_wait3A_75 : memref<1x128xi32, #tpu.memory_space<vmem>> -> memref<128xi32, #tpu.memory_space<vmem>>
      %dma_wait3A_77 = arith.constant 0 : i32
      %dma_wait3A_78 = arith.constant 0 : i32
      %dma_wait3A_79 = tpu.memref_slice %arg12[%dma_wait3A_77, %dma_wait3A_78] : memref<10240x128xf32, #tpu.memory_space<vmem_shared>> -> memref<10240x128xf32, #tpu.memory_space<vmem_shared>>
      tpu.wait_indirect_dma semaphore(%arg18 : memref<!tpu.dma_semaphore, #tpu.memory_space<semaphore_mem>>) src(%arg11 : memref<128x128xf32, #tpu.memory_space<vmem>>) dst(%dma_wait3A_79 : memref<10240x128xf32, #tpu.memory_space<vmem_shared>>)
    } else {
    }
    %eq3A_5 = arith.constant 1 : i32
    %eq3A_6 = arith.cmpi eq, %arg0, %eq3A_5 : i32
    %convert_element_type3A_7 = arith.extui %eq3A_6 : i1 to i32
    %cond3A_8 = arith.constant 0 : i32
    %cond3A_9 = arith.cmpi ne, %convert_element_type3A_7, %cond3A_8 : i32
    scf.if %cond3A_9 {
      %dma_start3A = arith.constant 0 : i32
      %dma_start3A_15 = arith.constant 0 : i32
      %dma_start3A_16 = arith.constant 0 : i32
      %dma_start3A_17 = tpu.memref_slice %arg9[%dma_start3A_15, %dma_start3A_16] : memref<2x128xi32, #tpu.memory_space<vmem>> -> memref<1x128xi32, #tpu.memory_space<vmem>>
      %dma_start3A_18 = tpu.memref_squeeze %dma_start3A_17 : memref<1x128xi32, #tpu.memory_space<vmem>> -> memref<128xi32, #tpu.memory_space<vmem>>
      %dma_start3A_19 = arith.constant 0 : i32
      %dma_start3A_20 = tpu.memref_slice %arg4[%arg1, %dma_start3A, %dma_start3A_19] : memref<16x80x128xi32, #tpu.memory_space<hbm>> -> memref<1x1x128xi32, #tpu.memory_space<hbm>>
      %dma_start3A_21 = tpu.memref_squeeze %dma_start3A_20 : memref<1x1x128xi32, #tpu.memory_space<hbm>> -> memref<128xi32, #tpu.memory_space<hbm>>
      %dma_start3A_22 = arith.constant 0 : i32
      %dma_start3A_23 = tpu.memref_slice %arg9[%dma_start3A_15, %dma_start3A_22] : memref<2x128xi32, #tpu.memory_space<vmem>> -> memref<1x128xi32, #tpu.memory_space<vmem>>
      %dma_start3A_24 = tpu.memref_squeeze %dma_start3A_23 : memref<1x128xi32, #tpu.memory_space<vmem>> -> memref<128xi32, #tpu.memory_space<vmem>>
      %dma_start3A_25 = arith.constant 0 : i32
      %dma_start3A_26 = tpu.memref_slice %arg4[%arg1, %dma_start3A, %dma_start3A_25] : memref<16x80x128xi32, #tpu.memory_space<hbm>> -> memref<1x1x128xi32, #tpu.memory_space<hbm>>
      %dma_start3A_27 = tpu.memref_squeeze %dma_start3A_26 : memref<1x1x128xi32, #tpu.memory_space<hbm>> -> memref<128xi32, #tpu.memory_space<hbm>>
      tpu.enqueue_dma source(%dma_start3A_27 : memref<128xi32, #tpu.memory_space<hbm>>) target(%dma_start3A_24 : memref<128xi32, #tpu.memory_space<vmem>>) target_semaphore(%arg13 : memref<!tpu.dma_semaphore, #tpu.memory_space<semaphore_mem>>)
      %dma_start3A_28 = arith.constant 1 : i32
      %dma_start3A_29 = arith.constant 1 : i32
      %dma_start3A_30 = arith.constant 0 : i32
      %dma_start3A_31 = tpu.memref_slice %arg9[%dma_start3A_29, %dma_start3A_30] : memref<2x128xi32, #tpu.memory_space<vmem>> -> memref<1x128xi32, #tpu.memory_space<vmem>>
      %dma_start3A_32 = tpu.memref_squeeze %dma_start3A_31 : memref<1x128xi32, #tpu.memory_space<vmem>> -> memref<128xi32, #tpu.memory_space<vmem>>
      %dma_start3A_33 = arith.constant 0 : i32
      %dma_start3A_34 = tpu.memref_slice %arg4[%arg1, %dma_start3A_28, %dma_start3A_33] : memref<16x80x128xi32, #tpu.memory_space<hbm>> -> memref<1x1x128xi32, #tpu.memory_space<hbm>>
      %dma_start3A_35 = tpu.memref_squeeze %dma_start3A_34 : memref<1x1x128xi32, #tpu.memory_space<hbm>> -> memref<128xi32, #tpu.memory_space<hbm>>
      %dma_start3A_36 = arith.constant 0 : i32
      %dma_start3A_37 = tpu.memref_slice %arg9[%dma_start3A_29, %dma_start3A_36] : memref<2x128xi32, #tpu.memory_space<vmem>> -> memref<1x128xi32, #tpu.memory_space<vmem>>
      %dma_start3A_38 = tpu.memref_squeeze %dma_start3A_37 : memref<1x128xi32, #tpu.memory_space<vmem>> -> memref<128xi32, #tpu.memory_space<vmem>>
      %dma_start3A_39 = arith.constant 0 : i32
      %dma_start3A_40 = tpu.memref_slice %arg4[%arg1, %dma_start3A_28, %dma_start3A_39] : memref<16x80x128xi32, #tpu.memory_space<hbm>> -> memref<1x1x128xi32, #tpu.memory_space<hbm>>
      %dma_start3A_41 = tpu.memref_squeeze %dma_start3A_40 : memref<1x1x128xi32, #tpu.memory_space<hbm>> -> memref<128xi32, #tpu.memory_space<hbm>>
      tpu.enqueue_dma source(%dma_start3A_41 : memref<128xi32, #tpu.memory_space<hbm>>) target(%dma_start3A_38 : memref<128xi32, #tpu.memory_space<vmem>>) target_semaphore(%arg14 : memref<!tpu.dma_semaphore, #tpu.memory_space<semaphore_mem>>)
      %dma_wait3A = arith.constant 0 : i32
      %dma_wait3A_42 = arith.constant 0 : i32
      %dma_wait3A_43 = arith.constant 0 : i32
      %dma_wait3A_44 = tpu.memref_slice %arg9[%dma_wait3A_42, %dma_wait3A_43] : memref<2x128xi32, #tpu.memory_space<vmem>> -> memref<1x128xi32, #tpu.memory_space<vmem>>
      %dma_wait3A_45 = tpu.memref_squeeze %dma_wait3A_44 : memref<1x128xi32, #tpu.memory_space<vmem>> -> memref<128xi32, #tpu.memory_space<vmem>>
      %dma_wait3A_46 = arith.constant 0 : i32
      %dma_wait3A_47 = tpu.memref_slice %arg4[%arg1, %dma_wait3A, %dma_wait3A_46] : memref<16x80x128xi32, #tpu.memory_space<hbm>> -> memref<1x1x128xi32, #tpu.memory_space<hbm>>
      %dma_wait3A_48 = tpu.memref_squeeze %dma_wait3A_47 : memref<1x1x128xi32, #tpu.memory_space<hbm>> -> memref<128xi32, #tpu.memory_space<hbm>>
      %dma_wait3A_49 = arith.constant 0 : i32
      %dma_wait3A_50 = tpu.memref_slice %arg9[%dma_wait3A_42, %dma_wait3A_49] : memref<2x128xi32, #tpu.memory_space<vmem>> -> memref<1x128xi32, #tpu.memory_space<vmem>>
      %dma_wait3A_51 = tpu.memref_squeeze %dma_wait3A_50 : memref<1x128xi32, #tpu.memory_space<vmem>> -> memref<128xi32, #tpu.memory_space<vmem>>
      %dma_wait3A_52 = arith.constant 0 : i32
      %dma_wait3A_53 = tpu.memref_slice %arg4[%arg1, %dma_wait3A, %dma_wait3A_52] : memref<16x80x128xi32, #tpu.memory_space<hbm>> -> memref<1x1x128xi32, #tpu.memory_space<hbm>>
      %dma_wait3A_54 = tpu.memref_squeeze %dma_wait3A_53 : memref<1x1x128xi32, #tpu.memory_space<hbm>> -> memref<128xi32, #tpu.memory_space<hbm>>
      tpu.wait_dma2 semaphore(%arg13 : memref<!tpu.dma_semaphore, #tpu.memory_space<semaphore_mem>>) src(%dma_wait3A_54 : memref<128xi32, #tpu.memory_space<hbm>>) dst(%dma_wait3A_51 : memref<128xi32, #tpu.memory_space<vmem>>)
      %dma_start3A_55 = arith.constant 0 : i32
      %dma_start3A_56 = arith.constant 0 : i32
      %dma_start3A_57 = tpu.memref_slice %arg9[%dma_start3A_55, %dma_start3A_56] : memref<2x128xi32, #tpu.memory_space<vmem>> -> memref<1x128xi32, #tpu.memory_space<vmem>>
      %dma_start3A_58 = tpu.memref_squeeze %dma_start3A_57 : memref<1x128xi32, #tpu.memory_space<vmem>> -> memref<128xi32, #tpu.memory_space<vmem>>
      %dma_start3A_59 = arith.constant 0 : i32
      %dma_start3A_60 = arith.constant 0 : i32
      %dma_start3A_61 = tpu.memref_slice %arg3[%dma_start3A_59, %dma_start3A_60] : memref<10000x128xf32, #tpu.memory_space<hbm>> -> memref<10000x128xf32, #tpu.memory_space<hbm>>
      tpu.enqueue_indirect_dma source(%dma_start3A_61 : memref<10000x128xf32, #tpu.memory_space<hbm>>) target(%arg10 : memref<128x128xf32, #tpu.memory_space<vmem>>) offsets(%dma_start3A_58 : memref<128xi32, #tpu.memory_space<vmem>>) semaphore(%arg15 : memref<!tpu.dma_semaphore, #tpu.memory_space<semaphore_mem>>)
      %scan3A = arith.constant 0 : i32
      %scan3A_62 = arith.constant 40 : i32
      %scan3A_63 = arith.addi %scan3A, %scan3A_62 : i32
      %scan3A_64 = arith.constant 1 : i32
      scf.for %scan3A_80 = %scan3A to %scan3A_63 step %scan3A_64  : i32 {
        %mul3A_81 = arith.constant 2 : i32
        %mul3A_82 = arith.muli %scan3A_80, %mul3A_81 : i32
        %add3A = arith.constant 0 : i32
        %add3A_83 = arith.addi %add3A, %mul3A_82 : i32
        %gt3A = arith.constant 0 : i32
        %gt3A_84 = arith.cmpi sgt, %add3A_83, %gt3A : i32
        %convert_element_type3A_85 = arith.extui %gt3A_84 : i1 to i32
        %cond3A_86 = arith.constant 0 : i32
        %cond3A_87 = arith.cmpi ne, %convert_element_type3A_85, %cond3A_86 : i32
        scf.if %cond3A_87 {
          %sub3A = arith.constant 1 : i32
          %sub3A_158 = arith.subi %add3A_83, %sub3A : i32
          %dma_wait3A_159 = arith.constant 0 : i32
          %dma_wait3A_160 = tpu.memref_slice %arg8[%sub3A_158, %dma_wait3A_159] : memref<80x128xi32, #tpu.memory_space<vmem>> -> memref<1x128xi32, #tpu.memory_space<vmem>>
          %dma_wait3A_161 = tpu.memref_squeeze %dma_wait3A_160 : memref<1x128xi32, #tpu.memory_space<vmem>> -> memref<128xi32, #tpu.memory_space<vmem>>
          %dma_wait3A_162 = arith.constant 0 : i32
          %dma_wait3A_163 = arith.constant 0 : i32
          %dma_wait3A_164 = tpu.memref_slice %arg12[%dma_wait3A_162, %dma_wait3A_163] : memref<10240x128xf32, #tpu.memory_space<vmem_shared>> -> memref<10240x128xf32, #tpu.memory_space<vmem_shared>>
          tpu.wait_indirect_dma semaphore(%arg18 : memref<!tpu.dma_semaphore, #tpu.memory_space<semaphore_mem>>) src(%arg11 : memref<128x128xf32, #tpu.memory_space<vmem>>) dst(%dma_wait3A_164 : memref<10240x128xf32, #tpu.memory_space<vmem_shared>>)
        } else {
        }
        %add3A_88 = arith.constant 1 : i32
        %add3A_89 = arith.addi %add3A_83, %add3A_88 : i32
        %dma_wait3A_90 = arith.constant 1 : i32
        %dma_wait3A_91 = arith.constant 0 : i32
        %dma_wait3A_92 = tpu.memref_slice %arg9[%dma_wait3A_90, %dma_wait3A_91] : memref<2x128xi32, #tpu.memory_space<vmem>> -> memref<1x128xi32, #tpu.memory_space<vmem>>
        %dma_wait3A_93 = tpu.memref_squeeze %dma_wait3A_92 : memref<1x128xi32, #tpu.memory_space<vmem>> -> memref<128xi32, #tpu.memory_space<vmem>>
        %dma_wait3A_94 = arith.constant 0 : i32
        %dma_wait3A_95 = tpu.memref_slice %arg4[%arg1, %add3A_89, %dma_wait3A_94] : memref<16x80x128xi32, #tpu.memory_space<hbm>> -> memref<1x1x128xi32, #tpu.memory_space<hbm>>
        %dma_wait3A_96 = tpu.memref_squeeze %dma_wait3A_95 : memref<1x1x128xi32, #tpu.memory_space<hbm>> -> memref<128xi32, #tpu.memory_space<hbm>>
        %dma_wait3A_97 = arith.constant 0 : i32
        %dma_wait3A_98 = tpu.memref_slice %arg9[%dma_wait3A_90, %dma_wait3A_97] : memref<2x128xi32, #tpu.memory_space<vmem>> -> memref<1x128xi32, #tpu.memory_space<vmem>>
        %dma_wait3A_99 = tpu.memref_squeeze %dma_wait3A_98 : memref<1x128xi32, #tpu.memory_space<vmem>> -> memref<128xi32, #tpu.memory_space<vmem>>
        %dma_wait3A_100 = arith.constant 0 : i32
        %dma_wait3A_101 = tpu.memref_slice %arg4[%arg1, %add3A_89, %dma_wait3A_100] : memref<16x80x128xi32, #tpu.memory_space<hbm>> -> memref<1x1x128xi32, #tpu.memory_space<hbm>>
        %dma_wait3A_102 = tpu.memref_squeeze %dma_wait3A_101 : memref<1x1x128xi32, #tpu.memory_space<hbm>> -> memref<128xi32, #tpu.memory_space<hbm>>
        tpu.wait_dma2 semaphore(%arg14 : memref<!tpu.dma_semaphore, #tpu.memory_space<semaphore_mem>>) src(%dma_wait3A_102 : memref<128xi32, #tpu.memory_space<hbm>>) dst(%dma_wait3A_99 : memref<128xi32, #tpu.memory_space<vmem>>)
        %dma_start3A_103 = arith.constant 1 : i32
        %dma_start3A_104 = arith.constant 0 : i32
        %dma_start3A_105 = tpu.memref_slice %arg9[%dma_start3A_103, %dma_start3A_104] : memref<2x128xi32, #tpu.memory_space<vmem>> -> memref<1x128xi32, #tpu.memory_space<vmem>>
        %dma_start3A_106 = tpu.memref_squeeze %dma_start3A_105 : memref<1x128xi32, #tpu.memory_space<vmem>> -> memref<128xi32, #tpu.memory_space<vmem>>
        %dma_start3A_107 = arith.constant 0 : i32
        %dma_start3A_108 = arith.constant 0 : i32
        %dma_start3A_109 = tpu.memref_slice %arg3[%dma_start3A_107, %dma_start3A_108] : memref<10000x128xf32, #tpu.memory_space<hbm>> -> memref<10000x128xf32, #tpu.memory_space<hbm>>
        tpu.enqueue_indirect_dma source(%dma_start3A_109 : memref<10000x128xf32, #tpu.memory_space<hbm>>) target(%arg11 : memref<128x128xf32, #tpu.memory_space<vmem>>) offsets(%dma_start3A_106 : memref<128xi32, #tpu.memory_space<vmem>>) semaphore(%arg16 : memref<!tpu.dma_semaphore, #tpu.memory_space<semaphore_mem>>)
        %dma_wait3A_110 = arith.constant 0 : i32
        %dma_wait3A_111 = arith.constant 0 : i32
        %dma_wait3A_112 = tpu.memref_slice %arg9[%dma_wait3A_110, %dma_wait3A_111] : memref<2x128xi32, #tpu.memory_space<vmem>> -> memref<1x128xi32, #tpu.memory_space<vmem>>
        %dma_wait3A_113 = tpu.memref_squeeze %dma_wait3A_112 : memref<1x128xi32, #tpu.memory_space<vmem>> -> memref<128xi32, #tpu.memory_space<vmem>>
        %dma_wait3A_114 = arith.constant 0 : i32
        %dma_wait3A_115 = arith.constant 0 : i32
        %dma_wait3A_116 = tpu.memref_slice %arg3[%dma_wait3A_114, %dma_wait3A_115] : memref<10000x128xf32, #tpu.memory_space<hbm>> -> memref<10000x128xf32, #tpu.memory_space<hbm>>
        tpu.wait_indirect_dma semaphore(%arg15 : memref<!tpu.dma_semaphore, #tpu.memory_space<semaphore_mem>>) src(%dma_wait3A_116 : memref<10000x128xf32, #tpu.memory_space<hbm>>) dst(%arg10 : memref<128x128xf32, #tpu.memory_space<vmem>>)
        %add3A_117 = arith.constant 2 : i32
        %add3A_118 = arith.addi %add3A_83, %add3A_117 : i32
        %lt3A = arith.constant 80 : i32
        %lt3A_119 = arith.cmpi slt, %add3A_118, %lt3A : i32
        %convert_element_type3A_120 = arith.extui %lt3A_119 : i1 to i32
        %cond3A_121 = arith.constant 0 : i32
        %cond3A_122 = arith.cmpi ne, %convert_element_type3A_120, %cond3A_121 : i32
        scf.if %cond3A_122 {
          %add3A_158 = arith.constant 2 : i32
          %add3A_159 = arith.addi %add3A_83, %add3A_158 : i32
          %dma_start3A_160 = arith.constant 0 : i32
          %dma_start3A_161 = arith.constant 0 : i32
          %dma_start3A_162 = tpu.memref_slice %arg9[%dma_start3A_160, %dma_start3A_161] : memref<2x128xi32, #tpu.memory_space<vmem>> -> memref<1x128xi32, #tpu.memory_space<vmem>>
          %dma_start3A_163 = tpu.memref_squeeze %dma_start3A_162 : memref<1x128xi32, #tpu.memory_space<vmem>> -> memref<128xi32, #tpu.memory_space<vmem>>
          %dma_start3A_164 = arith.constant 0 : i32
          %dma_start3A_165 = tpu.memref_slice %arg4[%arg1, %add3A_159, %dma_start3A_164] : memref<16x80x128xi32, #tpu.memory_space<hbm>> -> memref<1x1x128xi32, #tpu.memory_space<hbm>>
          %dma_start3A_166 = tpu.memref_squeeze %dma_start3A_165 : memref<1x1x128xi32, #tpu.memory_space<hbm>> -> memref<128xi32, #tpu.memory_space<hbm>>
          %dma_start3A_167 = arith.constant 0 : i32
          %dma_start3A_168 = tpu.memref_slice %arg9[%dma_start3A_160, %dma_start3A_167] : memref<2x128xi32, #tpu.memory_space<vmem>> -> memref<1x128xi32, #tpu.memory_space<vmem>>
          %dma_start3A_169 = tpu.memref_squeeze %dma_start3A_168 : memref<1x128xi32, #tpu.memory_space<vmem>> -> memref<128xi32, #tpu.memory_space<vmem>>
          %dma_start3A_170 = arith.constant 0 : i32
          %dma_start3A_171 = tpu.memref_slice %arg4[%arg1, %add3A_159, %dma_start3A_170] : memref<16x80x128xi32, #tpu.memory_space<hbm>> -> memref<1x1x128xi32, #tpu.memory_space<hbm>>
          %dma_start3A_172 = tpu.memref_squeeze %dma_start3A_171 : memref<1x1x128xi32, #tpu.memory_space<hbm>> -> memref<128xi32, #tpu.memory_space<hbm>>
          tpu.enqueue_dma source(%dma_start3A_172 : memref<128xi32, #tpu.memory_space<hbm>>) target(%dma_start3A_169 : memref<128xi32, #tpu.memory_space<vmem>>) target_semaphore(%arg13 : memref<!tpu.dma_semaphore, #tpu.memory_space<semaphore_mem>>)
        } else {
        }
        %dma_start3A_123 = arith.constant 0 : i32
        %dma_start3A_124 = tpu.memref_slice %arg8[%add3A_83, %dma_start3A_123] : memref<80x128xi32, #tpu.memory_space<vmem>> -> memref<1x128xi32, #tpu.memory_space<vmem>>
        %dma_start3A_125 = tpu.memref_squeeze %dma_start3A_124 : memref<1x128xi32, #tpu.memory_space<vmem>> -> memref<128xi32, #tpu.memory_space<vmem>>
        %dma_start3A_126 = arith.constant 0 : i32
        %dma_start3A_127 = arith.constant 0 : i32
        %dma_start3A_128 = tpu.memref_slice %arg12[%dma_start3A_126, %dma_start3A_127] : memref<10240x128xf32, #tpu.memory_space<vmem_shared>> -> memref<10240x128xf32, #tpu.memory_space<vmem_shared>>
        tpu.enqueue_indirect_dma source(%arg10 : memref<128x128xf32, #tpu.memory_space<vmem>>) target(%dma_start3A_128 : memref<10240x128xf32, #tpu.memory_space<vmem_shared>>) offsets(%dma_start3A_125 : memref<128xi32, #tpu.memory_space<vmem>>) semaphore(%arg17 : memref<!tpu.dma_semaphore, #tpu.memory_space<semaphore_mem>>) {add = true}
        %dma_wait3A_129 = arith.constant 1 : i32
        %dma_wait3A_130 = arith.constant 0 : i32
        %dma_wait3A_131 = tpu.memref_slice %arg9[%dma_wait3A_129, %dma_wait3A_130] : memref<2x128xi32, #tpu.memory_space<vmem>> -> memref<1x128xi32, #tpu.memory_space<vmem>>
        %dma_wait3A_132 = tpu.memref_squeeze %dma_wait3A_131 : memref<1x128xi32, #tpu.memory_space<vmem>> -> memref<128xi32, #tpu.memory_space<vmem>>
        %dma_wait3A_133 = arith.constant 0 : i32
        %dma_wait3A_134 = arith.constant 0 : i32
        %dma_wait3A_135 = tpu.memref_slice %arg3[%dma_wait3A_133, %dma_wait3A_134] : memref<10000x128xf32, #tpu.memory_space<hbm>> -> memref<10000x128xf32, #tpu.memory_space<hbm>>
        tpu.wait_indirect_dma semaphore(%arg16 : memref<!tpu.dma_semaphore, #tpu.memory_space<semaphore_mem>>) src(%dma_wait3A_135 : memref<10000x128xf32, #tpu.memory_space<hbm>>) dst(%arg11 : memref<128x128xf32, #tpu.memory_space<vmem>>)
        %add3A_136 = arith.constant 3 : i32
        %add3A_137 = arith.addi %add3A_83, %add3A_136 : i32
        %lt3A_138 = arith.constant 80 : i32
        %lt3A_139 = arith.cmpi slt, %add3A_137, %lt3A_138 : i32
        %convert_element_type3A_140 = arith.extui %lt3A_139 : i1 to i32
        %cond3A_141 = arith.constant 0 : i32
        %cond3A_142 = arith.cmpi ne, %convert_element_type3A_140, %cond3A_141 : i32
        scf.if %cond3A_142 {
          %add3A_158 = arith.constant 3 : i32
          %add3A_159 = arith.addi %add3A_83, %add3A_158 : i32
          %dma_start3A_160 = arith.constant 1 : i32
          %dma_start3A_161 = arith.constant 0 : i32
          %dma_start3A_162 = tpu.memref_slice %arg9[%dma_start3A_160, %dma_start3A_161] : memref<2x128xi32, #tpu.memory_space<vmem>> -> memref<1x128xi32, #tpu.memory_space<vmem>>
          %dma_start3A_163 = tpu.memref_squeeze %dma_start3A_162 : memref<1x128xi32, #tpu.memory_space<vmem>> -> memref<128xi32, #tpu.memory_space<vmem>>
          %dma_start3A_164 = arith.constant 0 : i32
          %dma_start3A_165 = tpu.memref_slice %arg4[%arg1, %add3A_159, %dma_start3A_164] : memref<16x80x128xi32, #tpu.memory_space<hbm>> -> memref<1x1x128xi32, #tpu.memory_space<hbm>>
          %dma_start3A_166 = tpu.memref_squeeze %dma_start3A_165 : memref<1x1x128xi32, #tpu.memory_space<hbm>> -> memref<128xi32, #tpu.memory_space<hbm>>
          %dma_start3A_167 = arith.constant 0 : i32
          %dma_start3A_168 = tpu.memref_slice %arg9[%dma_start3A_160, %dma_start3A_167] : memref<2x128xi32, #tpu.memory_space<vmem>> -> memref<1x128xi32, #tpu.memory_space<vmem>>
          %dma_start3A_169 = tpu.memref_squeeze %dma_start3A_168 : memref<1x128xi32, #tpu.memory_space<vmem>> -> memref<128xi32, #tpu.memory_space<vmem>>
          %dma_start3A_170 = arith.constant 0 : i32
          %dma_start3A_171 = tpu.memref_slice %arg4[%arg1, %add3A_159, %dma_start3A_170] : memref<16x80x128xi32, #tpu.memory_space<hbm>> -> memref<1x1x128xi32, #tpu.memory_space<hbm>>
          %dma_start3A_172 = tpu.memref_squeeze %dma_start3A_171 : memref<1x1x128xi32, #tpu.memory_space<hbm>> -> memref<128xi32, #tpu.memory_space<hbm>>
          tpu.enqueue_dma source(%dma_start3A_172 : memref<128xi32, #tpu.memory_space<hbm>>) target(%dma_start3A_169 : memref<128xi32, #tpu.memory_space<vmem>>) target_semaphore(%arg14 : memref<!tpu.dma_semaphore, #tpu.memory_space<semaphore_mem>>)
        } else {
        }
        %add3A_143 = arith.constant 1 : i32
        %add3A_144 = arith.addi %add3A_83, %add3A_143 : i32
        %dma_start3A_145 = arith.constant 0 : i32
        %dma_start3A_146 = tpu.memref_slice %arg8[%add3A_144, %dma_start3A_145] : memref<80x128xi32, #tpu.memory_space<vmem>> -> memref<1x128xi32, #tpu.memory_space<vmem>>
        %dma_start3A_147 = tpu.memref_squeeze %dma_start3A_146 : memref<1x128xi32, #tpu.memory_space<vmem>> -> memref<128xi32, #tpu.memory_space<vmem>>
        %dma_start3A_148 = arith.constant 0 : i32
        %dma_start3A_149 = arith.constant 0 : i32
        %dma_start3A_150 = tpu.memref_slice %arg12[%dma_start3A_148, %dma_start3A_149] : memref<10240x128xf32, #tpu.memory_space<vmem_shared>> -> memref<10240x128xf32, #tpu.memory_space<vmem_shared>>
        tpu.enqueue_indirect_dma source(%arg11 : memref<128x128xf32, #tpu.memory_space<vmem>>) target(%dma_start3A_150 : memref<10240x128xf32, #tpu.memory_space<vmem_shared>>) offsets(%dma_start3A_147 : memref<128xi32, #tpu.memory_space<vmem>>) semaphore(%arg18 : memref<!tpu.dma_semaphore, #tpu.memory_space<semaphore_mem>>) {add = true}
        %add3A_151 = arith.constant 2 : i32
        %add3A_152 = arith.addi %add3A_83, %add3A_151 : i32
        %lt3A_153 = arith.constant 80 : i32
        %lt3A_154 = arith.cmpi slt, %add3A_152, %lt3A_153 : i32
        %convert_element_type3A_155 = arith.extui %lt3A_154 : i1 to i32
        %cond3A_156 = arith.constant 0 : i32
        %cond3A_157 = arith.cmpi ne, %convert_element_type3A_155, %cond3A_156 : i32
        scf.if %cond3A_157 {
          %dma_wait3A_158 = arith.constant 0 : i32
          %dma_wait3A_159 = tpu.memref_slice %arg8[%add3A_83, %dma_wait3A_158] : memref<80x128xi32, #tpu.memory_space<vmem>> -> memref<1x128xi32, #tpu.memory_space<vmem>>
          %dma_wait3A_160 = tpu.memref_squeeze %dma_wait3A_159 : memref<1x128xi32, #tpu.memory_space<vmem>> -> memref<128xi32, #tpu.memory_space<vmem>>
          %dma_wait3A_161 = arith.constant 0 : i32
          %dma_wait3A_162 = arith.constant 0 : i32
          %dma_wait3A_163 = tpu.memref_slice %arg12[%dma_wait3A_161, %dma_wait3A_162] : memref<10240x128xf32, #tpu.memory_space<vmem_shared>> -> memref<10240x128xf32, #tpu.memory_space<vmem_shared>>
          tpu.wait_indirect_dma semaphore(%arg17 : memref<!tpu.dma_semaphore, #tpu.memory_space<semaphore_mem>>) src(%arg10 : memref<128x128xf32, #tpu.memory_space<vmem>>) dst(%dma_wait3A_163 : memref<10240x128xf32, #tpu.memory_space<vmem_shared>>)
          %add3A_164 = arith.constant 2 : i32
          %add3A_165 = arith.addi %add3A_83, %add3A_164 : i32
          %dma_wait3A_166 = arith.constant 0 : i32
          %dma_wait3A_167 = arith.constant 0 : i32
          %dma_wait3A_168 = tpu.memref_slice %arg9[%dma_wait3A_166, %dma_wait3A_167] : memref<2x128xi32, #tpu.memory_space<vmem>> -> memref<1x128xi32, #tpu.memory_space<vmem>>
          %dma_wait3A_169 = tpu.memref_squeeze %dma_wait3A_168 : memref<1x128xi32, #tpu.memory_space<vmem>> -> memref<128xi32, #tpu.memory_space<vmem>>
          %dma_wait3A_170 = arith.constant 0 : i32
          %dma_wait3A_171 = tpu.memref_slice %arg4[%arg1, %add3A_165, %dma_wait3A_170] : memref<16x80x128xi32, #tpu.memory_space<hbm>> -> memref<1x1x128xi32, #tpu.memory_space<hbm>>
          %dma_wait3A_172 = tpu.memref_squeeze %dma_wait3A_171 : memref<1x1x128xi32, #tpu.memory_space<hbm>> -> memref<128xi32, #tpu.memory_space<hbm>>
          %dma_wait3A_173 = arith.constant 0 : i32
          %dma_wait3A_174 = tpu.memref_slice %arg9[%dma_wait3A_166, %dma_wait3A_173] : memref<2x128xi32, #tpu.memory_space<vmem>> -> memref<1x128xi32, #tpu.memory_space<vmem>>
          %dma_wait3A_175 = tpu.memref_squeeze %dma_wait3A_174 : memref<1x128xi32, #tpu.memory_space<vmem>> -> memref<128xi32, #tpu.memory_space<vmem>>
          %dma_wait3A_176 = arith.constant 0 : i32
          %dma_wait3A_177 = tpu.memref_slice %arg4[%arg1, %add3A_165, %dma_wait3A_176] : memref<16x80x128xi32, #tpu.memory_space<hbm>> -> memref<1x1x128xi32, #tpu.memory_space<hbm>>
          %dma_wait3A_178 = tpu.memref_squeeze %dma_wait3A_177 : memref<1x1x128xi32, #tpu.memory_space<hbm>> -> memref<128xi32, #tpu.memory_space<hbm>>
          tpu.wait_dma2 semaphore(%arg13 : memref<!tpu.dma_semaphore, #tpu.memory_space<semaphore_mem>>) src(%dma_wait3A_178 : memref<128xi32, #tpu.memory_space<hbm>>) dst(%dma_wait3A_175 : memref<128xi32, #tpu.memory_space<vmem>>)
          %dma_start3A_179 = arith.constant 0 : i32
          %dma_start3A_180 = arith.constant 0 : i32
          %dma_start3A_181 = tpu.memref_slice %arg9[%dma_start3A_179, %dma_start3A_180] : memref<2x128xi32, #tpu.memory_space<vmem>> -> memref<1x128xi32, #tpu.memory_space<vmem>>
          %dma_start3A_182 = tpu.memref_squeeze %dma_start3A_181 : memref<1x128xi32, #tpu.memory_space<vmem>> -> memref<128xi32, #tpu.memory_space<vmem>>
          %dma_start3A_183 = arith.constant 0 : i32
          %dma_start3A_184 = arith.constant 0 : i32
          %dma_start3A_185 = tpu.memref_slice %arg3[%dma_start3A_183, %dma_start3A_184] : memref<10000x128xf32, #tpu.memory_space<hbm>> -> memref<10000x128xf32, #tpu.memory_space<hbm>>
          tpu.enqueue_indirect_dma source(%dma_start3A_185 : memref<10000x128xf32, #tpu.memory_space<hbm>>) target(%arg10 : memref<128x128xf32, #tpu.memory_space<vmem>>) offsets(%dma_start3A_182 : memref<128xi32, #tpu.memory_space<vmem>>) semaphore(%arg15 : memref<!tpu.dma_semaphore, #tpu.memory_space<semaphore_mem>>)
        } else {
        }
      }
      %scan3A_65 = arith.constant 40 : i32
      %dma_wait3A_66 = arith.constant 78 : i32
      %dma_wait3A_67 = arith.constant 0 : i32
      %dma_wait3A_68 = tpu.memref_slice %arg8[%dma_wait3A_66, %dma_wait3A_67] : memref<80x128xi32, #tpu.memory_space<vmem>> -> memref<1x128xi32, #tpu.memory_space<vmem>>
      %dma_wait3A_69 = tpu.memref_squeeze %dma_wait3A_68 : memref<1x128xi32, #tpu.memory_space<vmem>> -> memref<128xi32, #tpu.memory_space<vmem>>
      %dma_wait3A_70 = arith.constant 0 : i32
      %dma_wait3A_71 = arith.constant 0 : i32
      %dma_wait3A_72 = tpu.memref_slice %arg12[%dma_wait3A_70, %dma_wait3A_71] : memref<10240x128xf32, #tpu.memory_space<vmem_shared>> -> memref<10240x128xf32, #tpu.memory_space<vmem_shared>>
      tpu.wait_indirect_dma semaphore(%arg17 : memref<!tpu.dma_semaphore, #tpu.memory_space<semaphore_mem>>) src(%arg10 : memref<128x128xf32, #tpu.memory_space<vmem>>) dst(%dma_wait3A_72 : memref<10240x128xf32, #tpu.memory_space<vmem_shared>>)
      %dma_wait3A_73 = arith.constant 79 : i32
      %dma_wait3A_74 = arith.constant 0 : i32
      %dma_wait3A_75 = tpu.memref_slice %arg8[%dma_wait3A_73, %dma_wait3A_74] : memref<80x128xi32, #tpu.memory_space<vmem>> -> memref<1x128xi32, #tpu.memory_space<vmem>>
      %dma_wait3A_76 = tpu.memref_squeeze %dma_wait3A_75 : memref<1x128xi32, #tpu.memory_space<vmem>> -> memref<128xi32, #tpu.memory_space<vmem>>
      %dma_wait3A_77 = arith.constant 0 : i32
      %dma_wait3A_78 = arith.constant 0 : i32
      %dma_wait3A_79 = tpu.memref_slice %arg12[%dma_wait3A_77, %dma_wait3A_78] : memref<10240x128xf32, #tpu.memory_space<vmem_shared>> -> memref<10240x128xf32, #tpu.memory_space<vmem_shared>>
      tpu.wait_indirect_dma semaphore(%arg18 : memref<!tpu.dma_semaphore, #tpu.memory_space<semaphore_mem>>) src(%arg11 : memref<128x128xf32, #tpu.memory_space<vmem>>) dst(%dma_wait3A_79 : memref<10240x128xf32, #tpu.memory_space<vmem_shared>>)
    } else {
    }
    %barrier3A_10 = arith.constant 0 : index
    tpu.barrier barrier_id(%barrier3A_10)
    %mul3A_11 = arith.constant 640 : i32
    %mul3A_12 = arith.muli %arg1, %mul3A_11 : i32
    %mul3A_13 = arith.constant 640 : i32
    %mul3A_14 = arith.muli %arg1, %mul3A_13 : i32
    "tpu.region"() ({
      %run_scoped3A = tpu.sem_alloc : memref<!tpu.dma_semaphore, #tpu.memory_space<semaphore_mem>>
      %dma_start3A = arith.constant 0 : i32
      %dma_start3A_15 = tpu.memref_slice %arg7[%arg0, %mul3A_14, %dma_start3A] : memref<2x10240x128xf32, #tpu.memory_space<hbm>> -> memref<1x640x128xf32, #tpu.memory_space<hbm>>
      %dma_start3A_16 = tpu.memref_squeeze %dma_start3A_15 : memref<1x640x128xf32, #tpu.memory_space<hbm>> -> memref<640x128xf32, #tpu.memory_space<hbm>>
      %dma_start3A_17 = arith.constant 0 : i32
      %dma_start3A_18 = tpu.memref_slice %arg12[%mul3A_12, %dma_start3A_17] : memref<10240x128xf32, #tpu.memory_space<vmem_shared>> -> memref<640x128xf32, #tpu.memory_space<vmem_shared>>
      tpu.enqueue_dma source(%dma_start3A_18 : memref<640x128xf32, #tpu.memory_space<vmem_shared>>) target(%dma_start3A_16 : memref<640x128xf32, #tpu.memory_space<hbm>>) target_semaphore(%run_scoped3A : memref<!tpu.dma_semaphore, #tpu.memory_space<semaphore_mem>>)
      %dma_wait3A = arith.constant 0 : i32
      %dma_wait3A_19 = tpu.memref_slice %arg7[%arg0, %mul3A_14, %dma_wait3A] : memref<2x10240x128xf32, #tpu.memory_space<hbm>> -> memref<1x640x128xf32, #tpu.memory_space<hbm>>
      %dma_wait3A_20 = tpu.memref_squeeze %dma_wait3A_19 : memref<1x640x128xf32, #tpu.memory_space<hbm>> -> memref<640x128xf32, #tpu.memory_space<hbm>>
      %dma_wait3A_21 = arith.constant 0 : i32
      %dma_wait3A_22 = tpu.memref_slice %arg12[%mul3A_12, %dma_wait3A_21] : memref<10240x128xf32, #tpu.memory_space<vmem_shared>> -> memref<640x128xf32, #tpu.memory_space<vmem_shared>>
      tpu.wait_dma2 semaphore(%run_scoped3A : memref<!tpu.dma_semaphore, #tpu.memory_space<semaphore_mem>>) src(%dma_wait3A_22 : memref<640x128xf32, #tpu.memory_space<vmem_shared>>) dst(%dma_wait3A_20 : memref<640x128xf32, #tpu.memory_space<hbm>>)
      tpu.yield
    }) : () -> ()
    return
  }
}

module attributes {stable_mosaic.version = 14 : i64} {
  func.func @_mm_body(%arg0: i32, %arg1: memref<400x256xf32, #tpu.memory_space<vmem>>, %arg2: memref<256x256xf32, #tpu.memory_space<vmem>>, %arg3: memref<400x1xf32, #tpu.memory_space<vmem>>, %arg4: memref<400x128xf32, #tpu.memory_space<vmem>>, %arg5: memref<400x128xf32, #tpu.memory_space<vmem>>) attributes {dimension_semantics = [#tpu.dimension_semantics<arbitrary>], iteration_bounds = array<i64: 25>, scalar_prefetch = 0 : i64, scratch_operands = 0 : i64, tpu.core_type = #tpu.core_type<tc>, window_params = [{transform_indices = @transform_0, window_bounds = array<i64: 400, 256>}, {pipeline_mode = #tpu.pipeline_mode<synchronous>, transform_indices = @transform_1, window_bounds = array<i64: 256, 256>}, {transform_indices = @transform_2, window_bounds = array<i64: 400, 1>}, {transform_indices = @transform_3, window_bounds = array<i64: 400, 128>}, {transform_indices = @transform_4, window_bounds = array<i64: 400, 128>}]} {
    %get3A = arith.constant 0 : index
    %get3A_0 = arith.constant 0 : index
    %get3A_1 = vector.load %arg1[%get3A, %get3A_0] : memref<400x256xf32, #tpu.memory_space<vmem>>, vector<400x256xf32>
    %get3A_2 = arith.constant 0 : index
    %get3A_3 = arith.constant 0 : index
    %get3A_4 = vector.load %arg2[%get3A_2, %get3A_3] : memref<256x256xf32, #tpu.memory_space<vmem>>, vector<256x256xf32>
    %dot_general3A = arith.constant dense<0.000000e+00> : vector<400x256xf32>
    %dot_general3A_5 = tpu.matmul %get3A_1, %get3A_4, %dot_general3A {dimension_numbers = #tpu.dot_dimension_numbers<[1], [1], [0], [0], [0, 0, 1, 0], [], []>, transpose_lhs_hint = false} : vector<400x256xf32>, vector<256x256xf32>, vector<400x256xf32> -> vector<400x256xf32>
    %get3A_6 = arith.constant 0 : index
    %get3A_7 = arith.constant 0 : index
    %get3A_8 = vector.load %arg3[%get3A_6, %get3A_7] : memref<400x1xf32, #tpu.memory_space<vmem>>, vector<400x1xf32>
    %add3A = arith.constant 1.000000e+00 : f32
    %add3A_9 = vector.broadcast %add3A : f32 to vector<400x1xf32>
    %add3A_10 = arith.addf %get3A_8, %add3A_9 : vector<400x1xf32>
    %rsqrt3A = math.rsqrt %add3A_10 : vector<400x1xf32>
    %mul3A = vector.broadcast %rsqrt3A : vector<400x1xf32> to vector<400x256xf32>
    %mul3A_11 = arith.mulf %dot_general3A_5, %mul3A : vector<400x256xf32>
    %slice3A = vector.extract_strided_slice %mul3A_11 {offsets = [0, 0], sizes = [400, 128], strides = [1, 1]} : vector<400x256xf32> to vector<400x128xf32>
    %swap3A = arith.constant 0 : index
    %swap3A_12 = arith.constant 0 : index
    %swap3A_13 = vector.load %arg4[%swap3A, %swap3A_12] : memref<400x128xf32, #tpu.memory_space<vmem>>, vector<400x128xf32>
    tpu.vector_store %arg4[%swap3A, %swap3A_12], %slice3A {strides = array<i32>} : memref<400x128xf32, #tpu.memory_space<vmem>>, vector<400x128xf32>,
    %slice3A_14 = vector.extract_strided_slice %mul3A_11 {offsets = [0, 128], sizes = [400, 128], strides = [1, 1]} : vector<400x256xf32> to vector<400x128xf32>
    %swap3A_15 = arith.constant 0 : index
    %swap3A_16 = arith.constant 0 : index
    %swap3A_17 = vector.load %arg5[%swap3A_15, %swap3A_16] : memref<400x128xf32, #tpu.memory_space<vmem>>, vector<400x128xf32>
    tpu.vector_store %arg5[%swap3A_15, %swap3A_16], %slice3A_14 {strides = array<i32>} : memref<400x128xf32, #tpu.memory_space<vmem>>, vector<400x128xf32>,
    return
  }
  func.func @transform_0(%arg0: i32) -> (i32, i32) {
    %c0_i32 = arith.constant 0 : i32
    %c0_i32_0 = arith.constant 0 : i32
    return %arg0, %c0_i32 : i32, i32
  }
  func.func @transform_1(%arg0: i32) -> (i32, i32) {
    %c0_i32 = arith.constant 0 : i32
    %c0_i32_0 = arith.constant 0 : i32
    %c0_i32_1 = arith.constant 0 : i32
    return %c0_i32, %c0_i32_0 : i32, i32
  }
  func.func @transform_2(%arg0: i32) -> (i32, i32) {
    %c0_i32 = arith.constant 0 : i32
    %c0_i32_0 = arith.constant 0 : i32
    return %arg0, %c0_i32 : i32, i32
  }
  func.func @transform_3(%arg0: i32) -> (i32, i32) {
    %c0_i32 = arith.constant 0 : i32
    %c0_i32_0 = arith.constant 0 : i32
    return %arg0, %c0_i32 : i32, i32
  }
  func.func @transform_4(%arg0: i32) -> (i32, i32) {
    %c0_i32 = arith.constant 0 : i32
    %c0_i32_0 = arith.constant 0 : i32
    return %arg0, %c0_i32 : i32, i32
  }
}

module attributes {stable_mosaic.version = 14 : i64} {
  func.func @_fin_body(%arg0: i32, %arg1: memref<1x400x128xf32, #tpu.memory_space<vmem>>, %arg2: memref<1x400x128xf32, #tpu.memory_space<vmem>>, %arg3: memref<400x128xf32, #tpu.memory_space<vmem>>, %arg4: memref<400x128xf32, #tpu.memory_space<vmem>>, %arg5: memref<400x1xf32, #tpu.memory_space<vmem>>, %arg6: memref<256xf32, #tpu.memory_space<vmem>>, %arg7: memref<256xf32, #tpu.memory_space<vmem>>, %arg8: memref<256xf32, #tpu.memory_space<vmem>>, %arg9: memref<400x256xf32, #tpu.memory_space<vmem>>) attributes {dimension_semantics = [#tpu.dimension_semantics<arbitrary>], iteration_bounds = array<i64: 25>, scalar_prefetch = 0 : i64, scratch_operands = 0 : i64, tpu.core_type = #tpu.core_type<tc>, window_params = [{transform_indices = @transform_0, window_bounds = array<i64: 1, 400, 128>}, {transform_indices = @transform_1, window_bounds = array<i64: 1, 400, 128>}, {transform_indices = @transform_2, window_bounds = array<i64: 400, 128>}, {transform_indices = @transform_3, window_bounds = array<i64: 400, 128>}, {transform_indices = @transform_4, window_bounds = array<i64: 400, 1>}, {pipeline_mode = #tpu.pipeline_mode<synchronous>, transform_indices = @transform_5, window_bounds = array<i64: 256>}, {pipeline_mode = #tpu.pipeline_mode<synchronous>, transform_indices = @transform_6, window_bounds = array<i64: 256>}, {pipeline_mode = #tpu.pipeline_mode<synchronous>, transform_indices = @transform_7, window_bounds = array<i64: 256>}, {transform_indices = @transform_8, window_bounds = array<i64: 400, 256>}]} {
    %get3A = arith.constant 0 : index
    %get3A_0 = arith.constant 0 : index
    %get3A_1 = vector.load %arg5[%get3A, %get3A_0] : memref<400x1xf32, #tpu.memory_space<vmem>>, vector<400x1xf32>
    %add3A = arith.constant 1.000000e+00 : f32
    %add3A_2 = vector.broadcast %add3A : f32 to vector<400x1xf32>
    %add3A_3 = arith.addf %get3A_1, %add3A_2 : vector<400x1xf32>
    %rsqrt3A = math.rsqrt %add3A_3 : vector<400x1xf32>
    %get3A_4 = arith.constant 0 : index
    %get3A_5 = arith.constant 0 : index
    %get3A_6 = arith.constant 0 : index
    %get3A_7 = vector.load %arg1[%get3A_4, %get3A_5, %get3A_6] : memref<1x400x128xf32, #tpu.memory_space<vmem>>, vector<1x400x128xf32>
    %get3A_8 = vector.shape_cast %get3A_7 : vector<1x400x128xf32> to vector<400x128xf32>
    %get3A_9 = arith.constant 0 : index
    %get3A_10 = arith.constant 0 : index
    %get3A_11 = vector.load %arg3[%get3A_9, %get3A_10] : memref<400x128xf32, #tpu.memory_space<vmem>>, vector<400x128xf32>
    %add3A_12 = arith.addf %get3A_8, %get3A_11 : vector<400x128xf32>
    %get3A_13 = arith.constant 0 : index
    %get3A_14 = arith.constant 0 : index
    %get3A_15 = arith.constant 0 : index
    %get3A_16 = vector.load %arg2[%get3A_13, %get3A_14, %get3A_15] : memref<1x400x128xf32, #tpu.memory_space<vmem>>, vector<1x400x128xf32>
    %get3A_17 = vector.shape_cast %get3A_16 : vector<1x400x128xf32> to vector<400x128xf32>
    %get3A_18 = arith.constant 0 : index
    %get3A_19 = arith.constant 0 : index
    %get3A_20 = vector.load %arg4[%get3A_18, %get3A_19] : memref<400x128xf32, #tpu.memory_space<vmem>>, vector<400x128xf32>
    %add3A_21 = arith.addf %get3A_17, %get3A_20 : vector<400x128xf32>
    %concatenate3A = tpu.concatenate %add3A_12, %add3A_21 in 1 : vector<400x128xf32>, vector<400x128xf32> -> vector<400x256xf32>
    %mul3A = vector.broadcast %rsqrt3A : vector<400x1xf32> to vector<400x256xf32>
    %mul3A_22 = arith.mulf %concatenate3A, %mul3A : vector<400x256xf32>
    %get3A_23 = arith.constant 0 : index
    %get3A_24 = vector.load %arg6[%get3A_23] : memref<256xf32, #tpu.memory_space<vmem>>, vector<256xf32>
    %broadcast_in_dim3A = vector.shape_cast %get3A_24 : vector<256xf32> to vector<1x256xf32>
    %add3A_25 = vector.broadcast %broadcast_in_dim3A : vector<1x256xf32> to vector<400x256xf32>
    %add3A_26 = arith.addf %mul3A_22, %add3A_25 : vector<400x256xf32>
    %reduce_sum3A = arith.constant dense<0.000000e+00> : vector<400xf32>
    %reduce_sum3A_27 = vector.multi_reduction <add>, %add3A_26, %reduce_sum3A [1] : vector<400x256xf32> to vector<400xf32>
    %broadcast_in_dim3A_28 = vector.shape_cast %reduce_sum3A_27 : vector<400xf32> to vector<400x1xf32>
    %div3A = arith.constant 2.560000e+02 : f32
    %div3A_29 = vector.broadcast %div3A : f32 to vector<400x1xf32>
    %div3A_30 = arith.divf %broadcast_in_dim3A_28, %div3A_29 : vector<400x1xf32>
    %sub3A = vector.broadcast %div3A_30 : vector<400x1xf32> to vector<400x256xf32>
    %sub3A_31 = arith.subf %add3A_26, %sub3A : vector<400x256xf32>
    %integer_pow3A = arith.mulf %sub3A_31, %sub3A_31 : vector<400x256xf32>
    %reduce_sum3A_32 = arith.constant dense<0.000000e+00> : vector<400xf32>
    %reduce_sum3A_33 = vector.multi_reduction <add>, %integer_pow3A, %reduce_sum3A_32 [1] : vector<400x256xf32> to vector<400xf32>
    %broadcast_in_dim3A_34 = vector.shape_cast %reduce_sum3A_33 : vector<400xf32> to vector<400x1xf32>
    %div3A_35 = arith.constant 2.560000e+02 : f32
    %div3A_36 = vector.broadcast %div3A_35 : f32 to vector<400x1xf32>
    %div3A_37 = arith.divf %broadcast_in_dim3A_34, %div3A_36 : vector<400x1xf32>
    %sub3A_38 = vector.broadcast %div3A_30 : vector<400x1xf32> to vector<400x256xf32>
    %sub3A_39 = arith.subf %add3A_26, %sub3A_38 : vector<400x256xf32>
    %add3A_40 = arith.constant 9.99999974E-6 : f32
    %add3A_41 = vector.broadcast %add3A_40 : f32 to vector<400x1xf32>
    %add3A_42 = arith.addf %div3A_37, %add3A_41 : vector<400x1xf32>
    %rsqrt3A_43 = math.rsqrt %add3A_42 : vector<400x1xf32>
    %mul3A_44 = vector.broadcast %rsqrt3A_43 : vector<400x1xf32> to vector<400x256xf32>
    %mul3A_45 = arith.mulf %sub3A_39, %mul3A_44 : vector<400x256xf32>
    %get3A_46 = arith.constant 0 : index
    %get3A_47 = vector.load %arg7[%get3A_46] : memref<256xf32, #tpu.memory_space<vmem>>, vector<256xf32>
    %broadcast_in_dim3A_48 = vector.shape_cast %get3A_47 : vector<256xf32> to vector<1x256xf32>
    %mul3A_49 = vector.broadcast %broadcast_in_dim3A_48 : vector<1x256xf32> to vector<400x256xf32>
    %mul3A_50 = arith.mulf %mul3A_45, %mul3A_49 : vector<400x256xf32>
    %get3A_51 = arith.constant 0 : index
    %get3A_52 = vector.load %arg8[%get3A_51] : memref<256xf32, #tpu.memory_space<vmem>>, vector<256xf32>
    %broadcast_in_dim3A_53 = vector.shape_cast %get3A_52 : vector<256xf32> to vector<1x256xf32>
    %add3A_54 = vector.broadcast %broadcast_in_dim3A_53 : vector<1x256xf32> to vector<400x256xf32>
    %add3A_55 = arith.addf %mul3A_50, %add3A_54 : vector<400x256xf32>
    %mul3A_56 = arith.constant 5.000000e-01 : f32
    %mul3A_57 = vector.broadcast %mul3A_56 : f32 to vector<400x256xf32>
    %mul3A_58 = arith.mulf %mul3A_57, %add3A_55 : vector<400x256xf32>
    %mul3A_59 = arith.constant 0.707106769 : f32
    %mul3A_60 = vector.broadcast %mul3A_59 : f32 to vector<400x256xf32>
    %mul3A_61 = arith.mulf %add3A_55, %mul3A_60 : vector<400x256xf32>
    %erf3A = math.erf %mul3A_61 : vector<400x256xf32>
    %add3A_62 = arith.constant 1.000000e+00 : f32
    %add3A_63 = vector.broadcast %add3A_62 : f32 to vector<400x256xf32>
    %add3A_64 = arith.addf %add3A_63, %erf3A : vector<400x256xf32>
    %mul3A_65 = arith.mulf %mul3A_58, %add3A_64 : vector<400x256xf32>
    %swap3A = arith.constant 0 : index
    %swap3A_66 = arith.constant 0 : index
    %swap3A_67 = vector.load %arg9[%swap3A, %swap3A_66] : memref<400x256xf32, #tpu.memory_space<vmem>>, vector<400x256xf32>
    tpu.vector_store %arg9[%swap3A, %swap3A_66], %mul3A_65 {strides = array<i32>} : memref<400x256xf32, #tpu.memory_space<vmem>>, vector<400x256xf32>,
    return
  }
  func.func @transform_0(%arg0: i32) -> (i32, i32, i32) {
    %c0_i32 = arith.constant 0 : i32
    %c0_i32_0 = arith.constant 0 : i32
    %c0_i32_1 = arith.constant 0 : i32
    return %c0_i32, %arg0, %c0_i32_0 : i32, i32, i32
  }
  func.func @transform_1(%arg0: i32) -> (i32, i32, i32) {
    %c1_i32 = arith.constant 1 : i32
    %c0_i32 = arith.constant 0 : i32
    %c0_i32_0 = arith.constant 0 : i32
    return %c1_i32, %arg0, %c0_i32 : i32, i32, i32
  }
  func.func @transform_2(%arg0: i32) -> (i32, i32) {
    %c0_i32 = arith.constant 0 : i32
    %c0_i32_0 = arith.constant 0 : i32
    return %arg0, %c0_i32 : i32, i32
  }
  func.func @transform_3(%arg0: i32) -> (i32, i32) {
    %c0_i32 = arith.constant 0 : i32
    %c0_i32_0 = arith.constant 0 : i32
    return %arg0, %c0_i32 : i32, i32
  }
  func.func @transform_4(%arg0: i32) -> (i32, i32) {
    %c0_i32 = arith.constant 0 : i32
    %c0_i32_0 = arith.constant 0 : i32
    return %arg0, %c0_i32 : i32, i32
  }
  func.func @transform_5(%arg0: i32) -> i32 {
    %c0_i32 = arith.constant 0 : i32
    %c0_i32_0 = arith.constant 0 : i32
    return %c0_i32 : i32
  }
  func.func @transform_6(%arg0: i32) -> i32 {
    %c0_i32 = arith.constant 0 : i32
    %c0_i32_0 = arith.constant 0 : i32
    return %c0_i32 : i32
  }
  func.func @transform_7(%arg0: i32) -> i32 {
    %c0_i32 = arith.constant 0 : i32
    %c0_i32_0 = arith.constant 0 : i32
    return %c0_i32 : i32
  }
  func.func @transform_8(%arg0: i32) -> (i32, i32) {
    %c0_i32 = arith.constant 0 : i32
    %c0_i32_0 = arith.constant 0 : i32
    return %arg0, %c0_i32 : i32, i32
  }
}

</mosaic_0001>

<sc_bundles>
// kernel: kernel.6.cloned.1.call-start
scs
__scs_entry_jumppad:
0x0: {  	(pc) =	sbr.rel $0x88, $3  }
0x1: {  	(tag) =	ssettag $0x0;
	lr =	simm.s32 $0x1  }
0x2: {  	[smem:$0x3F9B] =	sst lr;
	_ =	strace $0xD0000000  }
0x3: {  	_ = 	snop  }
0x4: {  	_ = 	snop  }
0x5: {  	_ = 	snop  }
0x6: {  	_ = 	snop  }
0x7: {  	_ = 	snop  }
__scs_overlays_trampoline_lowered:
0x8: {  	[smem:$0x3FAA] =	sst s0  }
0x9: {  	[smem:$0x3FAB] =	sst s1  }
0xa: {  	[smem:$0x3FAC] =	sst s2  }
0xb: {  	[smem:$0x3FAD] =	sst s3  }
0xc: {  	[smem:$0x3FAE] =	sst s4  }
0xd: {  	[smem:$0x3FAF] =	sst s5  }
0xe: {  	[smem:$0x3FB0] =	sst s6  }
0xf: {  	[smem:$0x3FB1] =	sst s7  }
0x10: {  	[smem:$0x3FB2] =	sst s8  }
0x11: {  	[smem:$0x3FB3] =	sst s9;
	s0 =	simm.s32 @!p0 $0x0  }
0x12: {  	s1 =	sld [smem:$0x3F99];
	s0 =	simm.s32 @p0 $0x1  }
0x13: {  	[smem:$0x3FB4] =	sst s0;
	s0 =	simm.s32 @!p1 $0x0  }
0x14: {  	s2 =	sld [smem:$0x3F98];
	s0 =	simm.s32 @p1 $0x1  }
0x15: {  	[smem:$0x3FB5] =	sst s0;
	s0 =	simm.s32 @!p2 $0x0  }
0x16: {  	s3 =	sld [smem:$0x3FDB];
	s0 =	simm.s32 @p2 $0x1  }
0x17: {  	s4 =	simm.s32 $0x1BF5;
	[smem:$0x3FB7] =	sst s0  }
0x18: {  	s0 =	sld [smem:$0x3F9A];
	_ =	swait.ge [sflag:s4], $0x0  }
0x19: {  	s7 =	sld [smem:$0x3F9B]  }
0x1a: {  	s8 =	sadd.s32 $0xFFFFE003, lr  }
0x1b: {  	s9 =	sadd.s32 $0xFFFFFEF7, lr;
	s5 =	simm.s32 $0xFFFFFFFF;
	p2 =	slt.u32 s8, $0xFFFFF086  }
0x1c: {  	p1 =	slt.u32 s9, $0xF7A;
	s5 =	simm.s32 @!p2 $0x0  }
0x1d: {  	s5 =	simm.s32 @p1 $0x1;
	p0 =	seq.s32 s7, s2  }
0x1e: {  	s7 =	smul.u32 @!p0 $0xF7A, s2;
	p2 =	seq.s32 @!p0 s5, $0x0  }
0x1f: {  	s9 =	smul.u32 $0xF7A, s1;
	s8 =	simm.s32 @!p0 $0x1BF5;
	p2 =	por !p2, p0  }
0x20: {  	[sflag:s8] =	ssyncset.s32 @!p0 $0xFFFFF086;
	s6 =	sadd.s32 @!p0 s3, s7;
	s7 =	simm.s32 @!p0 $0x108  }
0x21: {  	s3 =	sadd.s32 s3, s9;
	s6 =	sadd.s32 @!p0 $0x88, s6;
	s7 =	simm.s32 @p2 $0x1082  }
0x22: {  	[simem:s7], [sflag:s8] =	dma.local @!p0 [hbm:s6], $0xF7A  }
0x23: {  	s9 =	sor.u32 $0xD0000000, s2;
	s6 =	simm.s32 $0x108;
	_ =	swait.ge @!p0 [sflag:s8], $0x0  }
0x24: {  	s3 =	sadd.s32 $0x88, s3;
	s6 =	simm.s32 @!p1 $0x1082;
	[sflag:s4] =	ssyncset.s32 $0xFFFFF086  }
0x25: {  	[simem:s6], [sflag:s4] =	dma.local [hbm:s3], $0xF7A  }
0x26: {  	[smem:$0x3F9B] =	sst s1;
	(tag) =	ssettag s2;
	_ =	strace s9  }
0x27: {  	s1 =	sld [smem:$0x3FAB]  }
0x28: {  	s2 =	sld [smem:$0x3FAC]  }
0x29: {  	s4 =	sld [smem:$0x3FAE]  }
0x2a: {  	p0 =	seq.s32 s5, $0x0;
	s5 =	sld [smem:$0x3FAF]  }
0x2b: {  	s6 =	sld [smem:$0x3FB0]  }
0x2c: {  	s7 =	sld [smem:$0x3FB1]  }
0x2d: {  	s3 =	simm.s32 $0x108;
	s8 =	sld [smem:$0x3FB2]  }
0x2e: {  	s3 =	simm.s32 @!p0 $0x1082;
	s9 =	sld [smem:$0x3FB3]  }
0x2f: {  	lr =	sadd.s32 s0, s3;
	s0 =	sld [smem:$0x3FAA]  }
0x30: {  	s3 =	sld [smem:$0x3FAD]  }
0x31: {  	[smem:$0x3FB6] =	sst s10  }
0x32: {  	s10 =	sld [smem:$0x3FB4];
	_ =	sdelay $0x3  }
0x33: {  	p0 =	seq.s32 s10, $0x1;
	s10 =	sld [smem:$0x3FB6];
	_ =	sdelay $0x3  }
0x34: {  	[smem:$0x3FB6] =	sst s10  }
0x35: {  	s10 =	sld [smem:$0x3FB5];
	_ =	sdelay $0x3  }
0x36: {  	p1 =	seq.s32 s10, $0x1;
	s10 =	sld [smem:$0x3FB6];
	_ =	sdelay $0x3  }
0x37: {  	[smem:$0x3FB6] =	sst s10  }
0x38: {  	s10 =	sld [smem:$0x3FB7]  }
0x39: {  	_ = 	snop;
	(pc) =	sbr.ind lr, $3  }
0x3a: {  	_ = 	snop  }
0x3b: {  	_ = 	snop  }
0x3c: {  	p2 =	seq.s32 s10, $0x1;
	s10 =	sld [smem:$0x3FB6]  }
0x3d: {  	_ =	shalt  }
0x3e: {  	_ =	shalt  }
0x3f: {  	_ =	shalt  }
0x40: {  	_ =	shalt  }
0x41: {  	_ =	shalt  }
0x42: {  	_ =	shalt  }
0x43: {  	_ =	shalt  }
0x44: {  	_ =	shalt  }
0x45: {  	_ =	shalt  }
0x46: {  	_ =	shalt  }
0x47: {  	_ =	shalt  }
0x48: {  	_ =	shalt  }
0x49: {  	_ =	shalt  }
0x4a: {  	_ =	shalt  }
0x4b: {  	_ =	shalt  }
0x4c: {  	_ =	shalt  }
0x4d: {  	_ =	shalt  }
0x4e: {  	_ =	shalt  }
0x4f: {  	_ =	shalt  }
0x50: {  	_ =	shalt  }
0x51: {  	_ =	shalt  }
0x52: {  	_ =	shalt  }
0x53: {  	_ =	shalt  }
0x54: {  	_ =	shalt  }
0x55: {  	_ =	shalt  }
0x56: {  	_ =	shalt  }
0x57: {  	_ =	shalt  }
0x58: {  	_ =	shalt  }
0x59: {  	_ =	shalt  }
0x5a: {  	_ =	shalt  }
0x5b: {  	_ =	shalt  }
0x5c: {  	_ =	shalt  }
0x5d: {  	_ =	shalt  }
0x5e: {  	_ =	shalt  }
0x5f: {  	_ =	shalt  }
0x60: {  	_ =	shalt  }
0x61: {  	_ =	shalt  }
0x62: {  	_ =	shalt  }
0x63: {  	_ =	shalt  }
0x64: {  	_ =	shalt  }
0x65: {  	_ =	shalt  }
0x66: {  	_ =	shalt  }
0x67: {  	_ =	shalt  }
0x68: {  	_ =	shalt  }
0x69: {  	_ =	shalt  }
0x6a: {  	_ =	shalt  }
0x6b: {  	_ =	shalt  }
0x6c: {  	_ =	shalt  }
0x6d: {  	_ =	shalt  }
0x6e: {  	_ =	shalt  }
0x6f: {  	_ =	shalt  }
0x70: {  	_ =	shalt  }
0x71: {  	_ =	shalt  }
0x72: {  	_ =	shalt  }
0x73: {  	_ =	shalt  }
0x74: {  	_ =	shalt  }
0x75: {  	_ =	shalt  }
0x76: {  	_ =	shalt  }
0x77: {  	_ =	shalt  }
0x78: {  	_ =	shalt  }
0x79: {  	_ =	shalt  }
0x7a: {  	_ =	shalt  }
0x7b: {  	_ =	shalt  }
0x7c: {  	_ =	shalt  }
0x7d: {  	_ =	shalt  }
0x7e: {  	_ =	shalt  }
0x7f: {  	_ =	shalt  }
0x80: {  	_ =	shalt  }
0x81: {  	_ =	shalt  }
0x82: {  	_ =	shalt  }
0x83: {  	_ =	shalt  }
0x84: {  	_ =	shalt  }
0x85: {  	_ =	shalt  }
0x86: {  	_ =	shalt  }
0x87: {  	_ =	shalt  }
.Lfunc_end0:
.L_simem_size_0:
called_computation_lowered:
.L_overlay_start_0:
0x88: {  	s2 =	sld [smem:$0x3FD9]  }
0x89: {  	s3 =	sld [smem:$0x3FFE];
	_ =	sdelay $0x1  }
0x8a: {  	s1 =	srdreg.scid  }
0x8b: {  	s0 =	sand.u32 $0x1, s1  }
0x8c: {  	s17 =	sshll.u32 s0, $0xA;
	s2 =	sadd.s32 s3, s2  }
0x8d: {  	s2 =	sadd.s32 s2, s17  }
0x8e: {  	[smem:$0x3FC2] =	sst s2  }
0x8f: {  	_ = 	snop  }
0x90: {  	s2 =	sld [smem:$0x3FD0];
	(tm) =	ssettm $0x1  }
0x91: {  	s18 =	sld [smem:$0x3FFB];
	_ =	sdelay $0x3  }
0x92: {  	_ =	strace s18  }
0x93: {  	s3 =	sld [smem:$0x3FFC];
	_ =	sdelay $0x3  }
0x94: {  	_ =	strace s3  }
0x95: {  	s3 =	sld [smem:$0x3FFD];
	_ =	sdelay $0x3  }
0x96: {  	_ =	strace s3  }
0x97: {  	_ =	strace $0x8FFFFFFF  }
0x98: {  	s19 =	sld [smem:$0x3FDB];
	_ =	sdelay $0x1  }
0x99: {  	s4 =	simm.s32 $_scs_section_size  }
0x9a: {  	s5 =	simm.s32 $_size__tile_overlayer_lowered;
	s6 =	simm.s32 $_tile_overlayer_lowered  }
0x9b: {  	s22 =	simm.s32 $0x1BFF;
	s21 =	sshll.u32 s6, $0x1;
	s3 =	sadd.s32 s4, s19  }
0x9c: {  	s7 =	simm.s32 $0x0;
	s20 =	sshll.u32 s5, $0x1;
	s5 =	sadd.s32 s21, s3  }
0x9d: {  	[timem:s7], [sflag:s22] =	dma.local [hbm:s5], s20  }
0x9e: {  	_ =	swait.ge [sflag:s22], s20  }
0x9f: {  	s4 =	ssub.s32 $0x0, s20;
	[sflag:s22] =	ssyncset.done $0x0  }
0xa0: {  	[sflag:s22] =	ssyncadd.s32 s4;
	_ =	sdelay $0x1  }
0xa1: {  	s23 =	simm.s32 $0x1B8B  }
0xa2: {  	_ =	swait.ge [sflag:s23], $0x1  }
0xa3: {  	[sflag:s23] =	ssyncset.done $0x0  }
0xa4: {  	s25 =	simm.s32 $0x1B8E;
	s24 =	sld [smem:$0x3FFE];
	[sflag:s23] =	ssyncadd.s32 $0xFFFFFFFF  }
0xa5: {  	s26 =	simm.s32 $execute0_lowered;
	[smem:$0x3FD2] =	sst s25  }
0xa6: {  	s5 =	sshll.u32 s26, $0x1;
	_ =	strace $0x80000046;
	[dreg:$0x1] =	wrdreg $0xFFFFFFFF  }
0xa7: {  	s28 =	simm.s32 $_size_execute0_lowered;
	s3 =	sadd.s32 s3, s5;
	[dreg:$0x0] =	wrdreg $0x0  }
0xa8: {  	s5 =	sshll.u32 s28, $0x1;
	[dreg:$0x2] =	wrdreg s3  }
0xa9: {  	[dreg:$0x3] =	wrdreg s5  }
0xaa: {  	[dreg:$0x4] =	wrdreg $0xC0  }
0xab: {  	_ =	task [dreg:s7], $0x5FFFF  }
0xac: {  	[dreg:$0x1] =	wrdreg $0xFFFFFFFF  }
0xad: {  	[dreg:$0x0] =	wrdreg $0x60  }
0xae: {  	[dreg:$0x2] =	wrdreg s24  }
0xaf: {  	[dreg:$0x3] =	wrdreg s2  }
0xb0: {  	[dreg:$0x4] =	wrdreg $0x54000  }
0xb1: {  	[dreg:$0x5] =	wrdreg $0x9  }
0xb2: {  	_ =	task.clear_ibuf [dreg:s7], $0x6FFFF;
	_ =	strace $0x90000046  }
0xb3: {  	s29 =	simm.s32 $0x9;
	_ =	strace $0x80000048  }
0xb4: {  	_ =	swait.ge [sflag:s29], $0x1  }
0xb5: {  	[sflag:s29] =	ssyncadd.s32 $0xFFFFFFFF  }
0xb6: {  	_ =	strace $0x90000048  }
0xb7: {  	_ =	sfence  }
0xb8: {  	s30 =	sld [smem:$0x0];
	_ =	sdelay $0x2  }
0xb9: {  	s31 =	sshll.u32 s1, $0xD;
	s1 =	sshrl.u32 s1, $0x2  }
0xba: {  	s3 =	sand.u32 $0x4000, s31;
	s1 =	sadd.s32 s1, s30  }
0xbb: {  	s0 =	sor.u32 s3, s0;
	s1 =	sshll.u32 s1, $0x11  }
0xbc: {  	s0 =	sor.u32 s1, s0  }
0xbd: {  	s0 =	sadd.s32 $0x8F2B, s0  }
0xbe: {  	[sflag:s0] =	ssyncadd.remote.s32 $0x1  }
0xbf: {  	_ =	sfence.sel $0xFFFF  }
0xc0: {  	[dreg:$0x0] =	wrdreg $0xFFFFFFFF;
	(pc) =	sbr.abs _section_cstart, $3  }
0xc1: {  	[dreg:$0x1] =	wrdreg $0xFFFFFFFF  }
0xc2: {  	_ =	task.clear_ibuf [dreg:s7], $0x2FFFF;
	_ =	strace $0x9FFFFFFF  }
0xc3: {  	(tm) =	ssettm $0x7FFFFFFF  }
tec
execute0_lowered:
.L_overlay_start_1:
0x0: {  	(tag) =	ssettag $0x1  }
0x1: {  	s5 =	rddreg [dreg:$0x0]  }
0x2: {  	s0 =	srdreg.scid;
	s6 =	rddreg [dreg:$0x1]  }
0x3: {  	s11 =	stileid.u32;
	s2 =	rddreg [dreg:$0x2];
	s3 =	simm.s32 $0x0  }
0x4: {  	s12 =	simm.s32 $0x1400;
	s13 =	simm.s32 $0x80;
	s17 =	simm.s32 $0xC00  }
0x5: {  	s18 =	simm.s32 $0xC80;
	s19 =	simm.s32 $0xD00;
	s20 =	simm.s32 $0xD80  }
0x6: {  	s21 =	simm.s32 $0xE00;
	s22 =	simm.s32 $0xE80;
	s23 =	simm.s32 $0xF00  }
0x7: {  	s28 =	simm.s32 $0x1100;
	s29 =	simm.s32 $0x1180;
	s30 =	simm.s32 $0x1200  }
0x8: {  	s31 =	simm.s32 $0x1280;
	s14 =	simm.s32 $0x1;
	s15 =	simm.s32 $0x0  }
0x9: {  	s0 =	sand.u32 $0x1, s0;
	s1 =	sshll.u32 s11, $0x1;
	s7 =	smul.u32 $0x14000, s11  }
0xa: {  	[smem:$0x7FF] =	sst s3;
	s9 =	smul.u32 $0x50000, s11;
	s26 =	sshll.u32 s11, $0x6  }
0xb: {  	s11 =	simm.s32 $0x2;
	s1 =	sor.u32 s0, s1;
	s4 =	smul.u32 $0x140000, s0  }
0xc: {  	_ =	strace $0x80000047;
	s0 =	ssub.s32 $0x2, s0;
	s1 =	smul.u32 $0x280, s1  }
0xd: {  	s24 =	sshrl.u32 s0, $0x1;
	s25 =	sshrl.u32 s9, $0x2;
	s4 =	sadd.s32 s7, s4  }
0xe: {  	s0 =	ssub.s32 s0, s24;
	s7 =	sshrl.u32 s7, $0x3;
	s10 =	sadd.s32 s25, s2  }
0xf: {  	s24 =	simm.s32 $0xF80;
	s25 =	simm.s32 $0x1000;
	s1 =	sadd.s32 s1, s5  }
0x10: {  	s8 =	sshrl.u32 s4, $0x3;
	s4 =	sadd.s32 $0x6200, s5;
	s9 =	smax.u32 s0, $0x1  }
0x11: {  	s10 =	sshrl.u32 s10, $0x3;
	s0 =	simm.s32 $0x1380;
	s8 =	sadd.s32 s8, s5  }
0x12: {  	s5 =	sadd.s32 s6, s7;
	s6 =	sor.u32 $0x1C02, s26;
	s7 =	sadd.s32 $0x1200, s1  }
0x13: {  	s26 =	simm.s32 $0x1080;
	s1 =	simm.s32 $0x1300;
	s8 =	sadd.s32 $0x6A00, s8  }
.LBB2_1:
0x14: {  	[spmem:s10], [sflag:s6] =	dma.local [hbm:s5], $0x2800  }
0x15: {  	_ =	swait.ge [sflag:s11], $0x2800  }
0x16: {  	[sflag:s11] =	ssyncset.done $0x0  }
0x17: {  	[sflag:s11] =	ssyncadd.s32 $0xFFFFD800  }
0x18: {  	[tilespmem:s12], [sflag:$0x2] =	stream.linear.gather [hbm4b:s4+s3], $0x4000, $0x38;
	[tilespmem:$0x19400] =	vst v63  }
0x19: {  	_ =	swait.ge [sflag:s11], $0x4000  }
0x1a: {  	[sflag:s11] =	ssyncset.done $0x0  }
0x1b: {  	[sflag:s11] =	ssyncadd.s32 $0xFFFFC000  }
0x1c: {  	[tilespmem:s3], [sflag:$0x2] =	stream.linear.gather [hbm4b:s7+s3], $0x1400, $0x38;
	[tilespmem:$0x19400] =	vst v63  }
0x1d: {  	_ =	swait.ge [sflag:s11], $0x1400  }
0x1e: {  	[sflag:s11] =	ssyncset.done $0x0  }
0x1f: {  	[sflag:s11] =	ssyncadd.s32 $0xFFFFEC00  }
0x20: {  	[bflag:$0x0] =	sbarrier.arrive $0xFFFF  }
0x21: {  	[spmem:s2] =	stream.indirect.scatter.add.f32 [tilespmem:s12], [sflag:$0x1], $0x80, s3, s13, $0xb8;
	[tilespmem:$0x19400] =	vst v63  }
0x22: {  	_ = 	snop  }
0x23: {  	[spmem:s2] =	stream.indirect.scatter.add.f32 [tilespmem:s12], [sflag:$0x1], $0x80, s13, s13, $0xb8;
	[tilespmem:$0x19400] =	vst v63  }
0x24: {  	s16 =	simm.s32 $0x100  }
0x25: {  	[spmem:s2] =	stream.indirect.scatter.add.f32 [tilespmem:s12], [sflag:$0x1], $0x80, s16, s13, $0xb8;
	[tilespmem:$0x19400] =	vst v63  }
0x26: {  	s16 =	simm.s32 $0x180  }
0x27: {  	[spmem:s2] =	stream.indirect.scatter.add.f32 [tilespmem:s12], [sflag:$0x1], $0x80, s16, s13, $0xb8;
	[tilespmem:$0x19400] =	vst v63  }
0x28: {  	s16 =	simm.s32 $0x200  }
0x29: {  	[spmem:s2] =	stream.indirect.scatter.add.f32 [tilespmem:s12], [sflag:$0x1], $0x80, s16, s13, $0xb8;
	[tilespmem:$0x19400] =	vst v63  }
0x2a: {  	s16 =	simm.s32 $0x280  }
0x2b: {  	[spmem:s2] =	stream.indirect.scatter.add.f32 [tilespmem:s12], [sflag:$0x1], $0x80, s16, s13, $0xb8;
	[tilespmem:$0x19400] =	vst v63  }
0x2c: {  	s16 =	simm.s32 $0x300  }
0x2d: {  	[spmem:s2] =	stream.indirect.scatter.add.f32 [tilespmem:s12], [sflag:$0x1], $0x80, s16, s13, $0xb8;
	[tilespmem:$0x19400] =	vst v63  }
0x2e: {  	s16 =	simm.s32 $0x380  }
0x2f: {  	[spmem:s2] =	stream.indirect.scatter.add.f32 [tilespmem:s12], [sflag:$0x1], $0x80, s16, s13, $0xb8;
	[tilespmem:$0x19400] =	vst v63  }
0x30: {  	s16 =	simm.s32 $0x400  }
0x31: {  	[spmem:s2] =	stream.indirect.scatter.add.f32 [tilespmem:s12], [sflag:$0x1], $0x80, s16, s13, $0xb8;
	[tilespmem:$0x19400] =	vst v63  }
0x32: {  	s16 =	simm.s32 $0x480  }
0x33: {  	[spmem:s2] =	stream.indirect.scatter.add.f32 [tilespmem:s12], [sflag:$0x1], $0x80, s16, s13, $0xb8;
	[tilespmem:$0x19400] =	vst v63  }
0x34: {  	s16 =	simm.s32 $0x500  }
0x35: {  	[spmem:s2] =	stream.indirect.scatter.add.f32 [tilespmem:s12], [sflag:$0x1], $0x80, s16, s13, $0xb8;
	[tilespmem:$0x19400] =	vst v63  }
0x36: {  	s16 =	simm.s32 $0x580  }
0x37: {  	[spmem:s2] =	stream.indirect.scatter.add.f32 [tilespmem:s12], [sflag:$0x1], $0x80, s16, s13, $0xb8;
	[tilespmem:$0x19400] =	vst v63  }
0x38: {  	s16 =	simm.s32 $0x600  }
0x39: {  	[spmem:s2] =	stream.indirect.scatter.add.f32 [tilespmem:s12], [sflag:$0x1], $0x80, s16, s13, $0xb8;
	[tilespmem:$0x19400] =	vst v63  }
0x3a: {  	s16 =	simm.s32 $0x680  }
0x3b: {  	[spmem:s2] =	stream.indirect.scatter.add.f32 [tilespmem:s12], [sflag:$0x1], $0x80, s16, s13, $0xb8;
	[tilespmem:$0x19400] =	vst v63  }
0x3c: {  	s16 =	simm.s32 $0x700  }
0x3d: {  	[spmem:s2] =	stream.indirect.scatter.add.f32 [tilespmem:s12], [sflag:$0x1], $0x80, s16, s13, $0xb8;
	[tilespmem:$0x19400] =	vst v63  }
0x3e: {  	s16 =	simm.s32 $0x780  }
0x3f: {  	[spmem:s2] =	stream.indirect.scatter.add.f32 [tilespmem:s12], [sflag:$0x1], $0x80, s16, s13, $0xb8;
	[tilespmem:$0x19400] =	vst v63  }
0x40: {  	s16 =	simm.s32 $0x800  }
0x41: {  	[spmem:s2] =	stream.indirect.scatter.add.f32 [tilespmem:s12], [sflag:$0x1], $0x80, s16, s13, $0xb8;
	[tilespmem:$0x19400] =	vst v63  }
0x42: {  	s16 =	simm.s32 $0x880  }
0x43: {  	[spmem:s2] =	stream.indirect.scatter.add.f32 [tilespmem:s12], [sflag:$0x1], $0x80, s16, s13, $0xb8;
	[tilespmem:$0x19400] =	vst v63  }
0x44: {  	s16 =	simm.s32 $0x900  }
0x45: {  	[spmem:s2] =	stream.indirect.scatter.add.f32 [tilespmem:s12], [sflag:$0x1], $0x80, s16, s13, $0xb8;
	[tilespmem:$0x19400] =	vst v63  }
0x46: {  	s16 =	simm.s32 $0x980  }
0x47: {  	[spmem:s2] =	stream.indirect.scatter.add.f32 [tilespmem:s12], [sflag:$0x1], $0x80, s16, s13, $0xb8;
	[tilespmem:$0x19400] =	vst v63  }
0x48: {  	s16 =	simm.s32 $0xA00  }
0x49: {  	[spmem:s2] =	stream.indirect.scatter.add.f32 [tilespmem:s12], [sflag:$0x1], $0x80, s16, s13, $0xb8;
	[tilespmem:$0x19400] =	vst v63  }
0x4a: {  	s16 =	simm.s32 $0xA80  }
0x4b: {  	[spmem:s2] =	stream.indirect.scatter.add.f32 [tilespmem:s12], [sflag:$0x1], $0x80, s16, s13, $0xb8;
	[tilespmem:$0x19400] =	vst v63  }
0x4c: {  	s16 =	simm.s32 $0xB00  }
0x4d: {  	[spmem:s2] =	stream.indirect.scatter.add.f32 [tilespmem:s12], [sflag:$0x1], $0x80, s16, s13, $0xb8;
	[tilespmem:$0x19400] =	vst v63  }
0x4e: {  	s16 =	simm.s32 $0xB80  }
0x4f: {  	[spmem:s2] =	stream.indirect.scatter.add.f32 [tilespmem:s12], [sflag:$0x1], $0x80, s16, s13, $0xb8;
	[tilespmem:$0x19400] =	vst v63  }
0x50: {  	_ = 	snop  }
0x51: {  	[spmem:s2] =	stream.indirect.scatter.add.f32 [tilespmem:s12], [sflag:$0x1], $0x80, s17, s13, $0xb8;
	[tilespmem:$0x19400] =	vst v63  }
0x52: {  	_ = 	snop  }
0x53: {  	[spmem:s2] =	stream.indirect.scatter.add.f32 [tilespmem:s12], [sflag:$0x1], $0x80, s18, s13, $0xb8;
	[tilespmem:$0x19400] =	vst v63  }
0x54: {  	_ = 	snop  }
0x55: {  	[spmem:s2] =	stream.indirect.scatter.add.f32 [tilespmem:s12], [sflag:$0x1], $0x80, s19, s13, $0xb8;
	[tilespmem:$0x19400] =	vst v63  }
0x56: {  	_ = 	snop  }
0x57: {  	[spmem:s2] =	stream.indirect.scatter.add.f32 [tilespmem:s12], [sflag:$0x1], $0x80, s20, s13, $0xb8;
	[tilespmem:$0x19400] =	vst v63  }
0x58: {  	_ = 	snop  }
0x59: {  	[spmem:s2] =	stream.indirect.scatter.add.f32 [tilespmem:s12], [sflag:$0x1], $0x80, s21, s13, $0xb8;
	[tilespmem:$0x19400] =	vst v63  }
0x5a: {  	_ = 	snop  }
0x5b: {  	[spmem:s2] =	stream.indirect.scatter.add.f32 [tilespmem:s12], [sflag:$0x1], $0x80, s22, s13, $0xb8;
	[tilespmem:$0x19400] =	vst v63  }
0x5c: {  	_ = 	snop  }
0x5d: {  	[spmem:s2] =	stream.indirect.scatter.add.f32 [tilespmem:s12], [sflag:$0x1], $0x80, s23, s13, $0xb8;
	[tilespmem:$0x19400] =	vst v63  }
0x5e: {  	_ = 	snop  }
0x5f: {  	[spmem:s2] =	stream.indirect.scatter.add.f32 [tilespmem:s12], [sflag:$0x1], $0x80, s24, s13, $0xb8;
	[tilespmem:$0x19400] =	vst v63  }
0x60: {  	_ = 	snop  }
0x61: {  	[spmem:s2] =	stream.indirect.scatter.add.f32 [tilespmem:s12], [sflag:$0x1], $0x80, s25, s13, $0xb8;
	[tilespmem:$0x19400] =	vst v63  }
0x62: {  	_ = 	snop  }
0x63: {  	[spmem:s2] =	stream.indirect.scatter.add.f32 [tilespmem:s12], [sflag:$0x1], $0x80, s26, s13, $0xb8;
	[tilespmem:$0x19400] =	vst v63  }
0x64: {  	_ = 	snop  }
0x65: {  	[spmem:s2] =	stream.indirect.scatter.add.f32 [tilespmem:s12], [sflag:$0x1], $0x80, s28, s13, $0xb8;
	[tilespmem:$0x19400] =	vst v63  }
0x66: {  	_ = 	snop  }
0x67: {  	[spmem:s2] =	stream.indirect.scatter.add.f32 [tilespmem:s12], [sflag:$0x1], $0x80, s29, s13, $0xb8;
	[tilespmem:$0x19400] =	vst v63  }
0x68: {  	_ = 	snop  }
0x69: {  	[spmem:s2] =	stream.indirect.scatter.add.f32 [tilespmem:s12], [sflag:$0x1], $0x80, s30, s13, $0xb8;
	[tilespmem:$0x19400] =	vst v63  }
0x6a: {  	_ = 	snop  }
0x6b: {  	[spmem:s2] =	stream.indirect.scatter.add.f32 [tilespmem:s12], [sflag:$0x1], $0x80, s31, s13, $0xb8;
	[tilespmem:$0x19400] =	vst v63  }
0x6c: {  	_ = 	snop  }
0x6d: {  	[spmem:s2] =	stream.indirect.scatter.add.f32 [tilespmem:s12], [sflag:$0x1], $0x80, s1, s13, $0xb8;
	[tilespmem:$0x19400] =	vst v63  }
0x6e: {  	_ = 	snop  }
0x6f: {  	[spmem:s2] =	stream.indirect.scatter.add.f32 [tilespmem:s12], [sflag:$0x1], $0x80, s0, s13, $0xb8;
	[tilespmem:$0x19400] =	vst v63  }
0x70: {  	_ =	swait.ge [sflag:s14], $0x4000  }
0x71: {  	s16 =	simm.s32 $0x27;
	[sflag:s14] =	ssyncset.done $0x0  }
.LBB2_2:
0x72: {  	p0 =	sne.s32 s16, $0x1;
	s16 =	sadd.s32 $0xFFFFFFFF, s16;
	[sflag:s14] =	ssyncadd.s32 $0xFFFFC000  }
.Ltmp0:
0x73: {  	(pc) =	sbr.rel @p0 .LBB2_2-.Ltmp0, $3  }
0x74: {  	_ =	sdelay $0x1  }
0x75: {  	_ =	swait.ge [sflag:s14], $0x4000  }
0x76: {  	[sflag:s14] =	ssyncset.done $0x0  }
0x77: {  	s15 =	sadd.s32 $0x1, s15  }
0x78: {  	[sflag:s14] =	ssyncadd.s32 $0xFFFFC000;
	p0 =	sne.s32 s15, s9  }
.Ltmp1:
0x79: {  	[bflag:$0x0] =	sbarrier.arrive $0xFFFF;
	(pc) =	sbr.rel @p0 .LBB2_1-.Ltmp1, $4  }
0x7a: {  	[hbm:s8], [sflag:s6] =	dma.local [spmem:s10], $0x2800  }
0x7b: {  	_ =	swait.ge [sflag:s11], $0x2800  }
0x7c: {  	[sflag:s11] =	ssyncset.done $0x0  }
0x7d: {  	[sflag:s11] =	ssyncadd.s32 $0xFFFFD800  }
0x7e: {  	_ =	sfence.sel $0x180000  }
0x7f: {  	[bflag:$0x0] =	sbarrier.arrive $0xFFFF  }
0x80: {  	_ =	strace $0x90000047  }
0x81: {  	s0 =	stileid.u32;
	[bflag:$0x2] =	sbarrier.arrive $0xFFFF  }
0x82: {  	p0 =	sne.s32 s0, $0x0;
	s0 =	rddreg [dreg:$0x3]  }
0x83: {  	s0 =	sadd.s32 @!p0 $0x100000, s0  }
0x84: {  	[sflag:s0] =	ssyncadd.tile.s32 @!p0 $0x1;
	_ =	shalt  }
.Lfunc_end2:
_tile_overlayer_lowered:
.L_overlay_start_2:
0x85: {  	(tag) =	ssettag $0x2  }
0x86: {  	s0 =	rddreg [dreg:$0x0];
	s2 =	stileid.u32  }
0x87: {  	s1 =	rddreg [dreg:$0x1];
	p0 =	sne.s32 s2, $0x0  }
0x88: {  	s3 =	rddreg [dreg:$0x2];
	[bflag:$0x3] =	sbarrier.arrive $0xFFFF;
	s2 =	simm.s32 @!p0 $0x1C02  }
0x89: {  	[timem:s3], [sflag:s2] =	dma.local @!p0 [hbm:s0], s1  }
0x8a: {  	s0 =	simm.s32 @!p0 $0x2  }
0x8b: {  	_ =	swait.ge @!p0 [sflag:s0], s1  }
0x8c: {  	s1 =	ssub.s32 @!p0 $0x0, s1;
	[sflag:s0] =	ssyncset.done @!p0 $0x0  }
0x8d: {  	[sflag:s0] =	ssyncadd.s32 @!p0 s1  }
0x8e: {  	[bflag:$0x3] =	sbarrier.arrive $0xFFFF  }
0x8f: {  	_ =	shalt  }

// kernel: kernel.9.cloned.1.call-start
scs
__scs_entry_jumppad:
0x0: {  	(pc) =	sbr.rel $0x88, $3  }
0x1: {  	(tag) =	ssettag $0x0;
	lr =	simm.s32 $0x1  }
0x2: {  	[smem:$0x3F9B] =	sst lr;
	_ =	strace $0xD0000000  }
0x3: {  	_ = 	snop  }
0x4: {  	_ = 	snop  }
0x5: {  	_ = 	snop  }
0x6: {  	_ = 	snop  }
0x7: {  	_ = 	snop  }
__scs_overlays_trampoline_lowered:
0x8: {  	[smem:$0x3FAA] =	sst s0  }
0x9: {  	[smem:$0x3FAB] =	sst s1  }
0xa: {  	[smem:$0x3FAC] =	sst s2  }
0xb: {  	[smem:$0x3FAD] =	sst s3  }
0xc: {  	[smem:$0x3FAE] =	sst s4  }
0xd: {  	[smem:$0x3FAF] =	sst s5  }
0xe: {  	[smem:$0x3FB0] =	sst s6  }
0xf: {  	[smem:$0x3FB1] =	sst s7  }
0x10: {  	[smem:$0x3FB2] =	sst s8  }
0x11: {  	[smem:$0x3FB3] =	sst s9;
	s0 =	simm.s32 @!p0 $0x0  }
0x12: {  	s1 =	sld [smem:$0x3F99];
	s0 =	simm.s32 @p0 $0x1  }
0x13: {  	[smem:$0x3FB4] =	sst s0;
	s0 =	simm.s32 @!p1 $0x0  }
0x14: {  	s2 =	sld [smem:$0x3F98];
	s0 =	simm.s32 @p1 $0x1  }
0x15: {  	[smem:$0x3FB5] =	sst s0;
	s0 =	simm.s32 @!p2 $0x0  }
0x16: {  	s3 =	sld [smem:$0x3FDB];
	s0 =	simm.s32 @p2 $0x1  }
0x17: {  	s4 =	simm.s32 $0x1BF5;
	[smem:$0x3FB7] =	sst s0  }
0x18: {  	s0 =	sld [smem:$0x3F9A];
	_ =	swait.ge [sflag:s4], $0x0  }
0x19: {  	s7 =	sld [smem:$0x3F9B]  }
0x1a: {  	s8 =	sadd.s32 $0xFFFFE003, lr  }
0x1b: {  	s9 =	sadd.s32 $0xFFFFFEF7, lr;
	s5 =	simm.s32 $0xFFFFFFFF;
	p2 =	slt.u32 s8, $0xFFFFF086  }
0x1c: {  	p1 =	slt.u32 s9, $0xF7A;
	s5 =	simm.s32 @!p2 $0x0  }
0x1d: {  	s5 =	simm.s32 @p1 $0x1;
	p0 =	seq.s32 s7, s2  }
0x1e: {  	s7 =	smul.u32 @!p0 $0xF7A, s2;
	p2 =	seq.s32 @!p0 s5, $0x0  }
0x1f: {  	s9 =	smul.u32 $0xF7A, s1;
	s8 =	simm.s32 @!p0 $0x1BF5;
	p2 =	por !p2, p0  }
0x20: {  	[sflag:s8] =	ssyncset.s32 @!p0 $0xFFFFF086;
	s6 =	sadd.s32 @!p0 s3, s7;
	s7 =	simm.s32 @!p0 $0x108  }
0x21: {  	s3 =	sadd.s32 s3, s9;
	s6 =	sadd.s32 @!p0 $0x88, s6;
	s7 =	simm.s32 @p2 $0x1082  }
0x22: {  	[simem:s7], [sflag:s8] =	dma.local @!p0 [hbm:s6], $0xF7A  }
0x23: {  	s9 =	sor.u32 $0xD0000000, s2;
	s6 =	simm.s32 $0x108;
	_ =	swait.ge @!p0 [sflag:s8], $0x0  }
0x24: {  	s3 =	sadd.s32 $0x88, s3;
	s6 =	simm.s32 @!p1 $0x1082;
	[sflag:s4] =	ssyncset.s32 $0xFFFFF086  }
0x25: {  	[simem:s6], [sflag:s4] =	dma.local [hbm:s3], $0xF7A  }
0x26: {  	[smem:$0x3F9B] =	sst s1;
	(tag) =	ssettag s2;
	_ =	strace s9  }
0x27: {  	s1 =	sld [smem:$0x3FAB]  }
0x28: {  	s2 =	sld [smem:$0x3FAC]  }
0x29: {  	s4 =	sld [smem:$0x3FAE]  }
0x2a: {  	p0 =	seq.s32 s5, $0x0;
	s5 =	sld [smem:$0x3FAF]  }
0x2b: {  	s6 =	sld [smem:$0x3FB0]  }
0x2c: {  	s7 =	sld [smem:$0x3FB1]  }
0x2d: {  	s3 =	simm.s32 $0x108;
	s8 =	sld [smem:$0x3FB2]  }
0x2e: {  	s3 =	simm.s32 @!p0 $0x1082;
	s9 =	sld [smem:$0x3FB3]  }
0x2f: {  	lr =	sadd.s32 s0, s3;
	s0 =	sld [smem:$0x3FAA]  }
0x30: {  	s3 =	sld [smem:$0x3FAD]  }
0x31: {  	[smem:$0x3FB6] =	sst s10  }
0x32: {  	s10 =	sld [smem:$0x3FB4];
	_ =	sdelay $0x3  }
0x33: {  	p0 =	seq.s32 s10, $0x1;
	s10 =	sld [smem:$0x3FB6];
	_ =	sdelay $0x3  }
0x34: {  	[smem:$0x3FB6] =	sst s10  }
0x35: {  	s10 =	sld [smem:$0x3FB5];
	_ =	sdelay $0x3  }
0x36: {  	p1 =	seq.s32 s10, $0x1;
	s10 =	sld [smem:$0x3FB6];
	_ =	sdelay $0x3  }
0x37: {  	[smem:$0x3FB6] =	sst s10  }
0x38: {  	s10 =	sld [smem:$0x3FB7]  }
0x39: {  	_ = 	snop;
	(pc) =	sbr.ind lr, $3  }
0x3a: {  	_ = 	snop  }
0x3b: {  	_ = 	snop  }
0x3c: {  	p2 =	seq.s32 s10, $0x1;
	s10 =	sld [smem:$0x3FB6]  }
0x3d: {  	_ =	shalt  }
0x3e: {  	_ =	shalt  }
0x3f: {  	_ =	shalt  }
0x40: {  	_ =	shalt  }
0x41: {  	_ =	shalt  }
0x42: {  	_ =	shalt  }
0x43: {  	_ =	shalt  }
0x44: {  	_ =	shalt  }
0x45: {  	_ =	shalt  }
0x46: {  	_ =	shalt  }
0x47: {  	_ =	shalt  }
0x48: {  	_ =	shalt  }
0x49: {  	_ =	shalt  }
0x4a: {  	_ =	shalt  }
0x4b: {  	_ =	shalt  }
0x4c: {  	_ =	shalt  }
0x4d: {  	_ =	shalt  }
0x4e: {  	_ =	shalt  }
0x4f: {  	_ =	shalt  }
0x50: {  	_ =	shalt  }
0x51: {  	_ =	shalt  }
0x52: {  	_ =	shalt  }
0x53: {  	_ =	shalt  }
0x54: {  	_ =	shalt  }
0x55: {  	_ =	shalt  }
0x56: {  	_ =	shalt  }
0x57: {  	_ =	shalt  }
0x58: {  	_ =	shalt  }
0x59: {  	_ =	shalt  }
0x5a: {  	_ =	shalt  }
0x5b: {  	_ =	shalt  }
0x5c: {  	_ =	shalt  }
0x5d: {  	_ =	shalt  }
0x5e: {  	_ =	shalt  }
0x5f: {  	_ =	shalt  }
0x60: {  	_ =	shalt  }
0x61: {  	_ =	shalt  }
0x62: {  	_ =	shalt  }
0x63: {  	_ =	shalt  }
0x64: {  	_ =	shalt  }
0x65: {  	_ =	shalt  }
0x66: {  	_ =	shalt  }
0x67: {  	_ =	shalt  }
0x68: {  	_ =	shalt  }
0x69: {  	_ =	shalt  }
0x6a: {  	_ =	shalt  }
0x6b: {  	_ =	shalt  }
0x6c: {  	_ =	shalt  }
0x6d: {  	_ =	shalt  }
0x6e: {  	_ =	shalt  }
0x6f: {  	_ =	shalt  }
0x70: {  	_ =	shalt  }
0x71: {  	_ =	shalt  }
0x72: {  	_ =	shalt  }
0x73: {  	_ =	shalt  }
0x74: {  	_ =	shalt  }
0x75: {  	_ =	shalt  }
0x76: {  	_ =	shalt  }
0x77: {  	_ =	shalt  }
0x78: {  	_ =	shalt  }
0x79: {  	_ =	shalt  }
0x7a: {  	_ =	shalt  }
0x7b: {  	_ =	shalt  }
0x7c: {  	_ =	shalt  }
0x7d: {  	_ =	shalt  }
0x7e: {  	_ =	shalt  }
0x7f: {  	_ =	shalt  }
0x80: {  	_ =	shalt  }
0x81: {  	_ =	shalt  }
0x82: {  	_ =	shalt  }
0x83: {  	_ =	shalt  }
0x84: {  	_ =	shalt  }
0x85: {  	_ =	shalt  }
0x86: {  	_ =	shalt  }
0x87: {  	_ =	shalt  }
.Lfunc_end0:
.L_simem_size_0:
called_computation.1_lowered:
.L_overlay_start_0:
0x88: {  	s2 =	sld [smem:$0x3FD9]  }
0x89: {  	s3 =	sld [smem:$0x3FFE];
	_ =	sdelay $0x1  }
0x8a: {  	s1 =	srdreg.scid  }
0x8b: {  	s0 =	sand.u32 $0x1, s1  }
0x8c: {  	s17 =	sshll.u32 s0, $0xA;
	s2 =	sadd.s32 s3, s2  }
0x8d: {  	s2 =	sadd.s32 s2, s17  }
0x8e: {  	[smem:$0x3FC2] =	sst s2  }
0x8f: {  	_ = 	snop  }
0x90: {  	s2 =	sld [smem:$0x3FD0];
	(tm) =	ssettm $0x1  }
0x91: {  	s18 =	sld [smem:$0x3FFB];
	_ =	sdelay $0x3  }
0x92: {  	_ =	strace s18  }
0x93: {  	s3 =	sld [smem:$0x3FFC];
	_ =	sdelay $0x3  }
0x94: {  	_ =	strace s3  }
0x95: {  	s3 =	sld [smem:$0x3FFD];
	_ =	sdelay $0x3  }
0x96: {  	_ =	strace s3  }
0x97: {  	_ =	strace $0x8FFFFFFF  }
0x98: {  	s19 =	sld [smem:$0x3FDB];
	_ =	sdelay $0x1  }
0x99: {  	s4 =	simm.s32 $_scs_section_size  }
0x9a: {  	s5 =	simm.s32 $_size__tile_overlayer_lowered;
	s6 =	simm.s32 $_tile_overlayer_lowered  }
0x9b: {  	s22 =	simm.s32 $0x1BFF;
	s21 =	sshll.u32 s6, $0x1;
	s3 =	sadd.s32 s4, s19  }
0x9c: {  	s7 =	simm.s32 $0x0;
	s20 =	sshll.u32 s5, $0x1;
	s5 =	sadd.s32 s21, s3  }
0x9d: {  	[timem:s7], [sflag:s22] =	dma.local [hbm:s5], s20  }
0x9e: {  	_ =	swait.ge [sflag:s22], s20  }
0x9f: {  	s4 =	ssub.s32 $0x0, s20;
	[sflag:s22] =	ssyncset.done $0x0  }
0xa0: {  	[sflag:s22] =	ssyncadd.s32 s4;
	_ =	sdelay $0x1  }
0xa1: {  	s23 =	simm.s32 $0x1B8B  }
0xa2: {  	_ =	swait.ge [sflag:s23], $0x1  }
0xa3: {  	[sflag:s23] =	ssyncset.done $0x0  }
0xa4: {  	s25 =	simm.s32 $0x1B8E;
	s24 =	sld [smem:$0x3FFE];
	[sflag:s23] =	ssyncadd.s32 $0xFFFFFFFF  }
0xa5: {  	s26 =	simm.s32 $execute0_lowered;
	[smem:$0x3FD2] =	sst s25  }
0xa6: {  	s5 =	sshll.u32 s26, $0x1;
	_ =	strace $0x80000049;
	[dreg:$0x1] =	wrdreg $0xFFFFFFFF  }
0xa7: {  	s28 =	simm.s32 $_size_execute0_lowered;
	s3 =	sadd.s32 s3, s5;
	[dreg:$0x0] =	wrdreg $0x0  }
0xa8: {  	s5 =	sshll.u32 s28, $0x1;
	[dreg:$0x2] =	wrdreg s3  }
0xa9: {  	[dreg:$0x3] =	wrdreg s5  }
0xaa: {  	[dreg:$0x4] =	wrdreg $0xC0  }
0xab: {  	_ =	task [dreg:s7], $0x5FFFF  }
0xac: {  	[dreg:$0x1] =	wrdreg $0xFFFFFFFF  }
0xad: {  	[dreg:$0x0] =	wrdreg $0x60  }
0xae: {  	[dreg:$0x2] =	wrdreg s24  }
0xaf: {  	[dreg:$0x3] =	wrdreg s2  }
0xb0: {  	[dreg:$0x4] =	wrdreg $0xA9000  }
0xb1: {  	[dreg:$0x5] =	wrdreg $0x9  }
0xb2: {  	_ =	task.clear_ibuf [dreg:s7], $0x6FFFF;
	_ =	strace $0x90000049  }
0xb3: {  	s29 =	simm.s32 $0x9;
	_ =	strace $0x8000004B  }
0xb4: {  	_ =	swait.ge [sflag:s29], $0x1  }
0xb5: {  	[sflag:s29] =	ssyncadd.s32 $0xFFFFFFFF  }
0xb6: {  	_ =	strace $0x9000004B  }
0xb7: {  	_ =	sfence  }
0xb8: {  	s30 =	sld [smem:$0x0];
	_ =	sdelay $0x2  }
0xb9: {  	s31 =	sshll.u32 s1, $0xD;
	s1 =	sshrl.u32 s1, $0x2  }
0xba: {  	s3 =	sand.u32 $0x4000, s31;
	s1 =	sadd.s32 s1, s30  }
0xbb: {  	s0 =	sor.u32 s3, s0;
	s1 =	sshll.u32 s1, $0x11  }
0xbc: {  	s0 =	sor.u32 s1, s0  }
0xbd: {  	s0 =	sadd.s32 $0x8F2B, s0  }
0xbe: {  	[sflag:s0] =	ssyncadd.remote.s32 $0x1  }
0xbf: {  	_ =	sfence.sel $0xFFFF  }
0xc0: {  	[dreg:$0x0] =	wrdreg $0xFFFFFFFF;
	(pc) =	sbr.abs _section_cstart, $3  }
0xc1: {  	[dreg:$0x1] =	wrdreg $0xFFFFFFFF  }
0xc2: {  	_ =	task.clear_ibuf [dreg:s7], $0x2FFFF;
	_ =	strace $0x9FFFFFFF  }
0xc3: {  	(tm) =	ssettm $0x7FFFFFFF  }
tec
execute0_lowered:
.L_overlay_start_1:
0x0: {  	(tag) =	ssettag $0x1  }
0x1: {  	s0 =	rddreg [dreg:$0x0]  }
0x2: {  	s1 =	rddreg [dreg:$0x1]  }
0x3: {  	s2 =	rddreg [dreg:$0x2];
	s16 =	stileid.u32;
	s3 =	simm.s32 $0x0  }
0x4: {  	s5 =	srdreg.scid;
	s18 =	simm.s32 $0x7;
	s19 =	simm.s32 $0x2800  }
0x5: {  	s20 =	simm.s32 $0x2880;
	s21 =	simm.s32 $0x1;
	s22 =	simm.s32 $0x80  }
0x6: {  	s28 =	simm.s32 $0x4;
	s29 =	simm.s32 $0x5;
	s30 =	simm.s32 $0x6  }
0x7: {  	s31 =	simm.s32 $0x0;
	s4 =	smul.u32 $0x2800, s16;
	[smem:$0x7FF] =	sst s3  }
0x8: {  	s8 =	sand.u32 $0x1, s5;
	s9 =	smul.u32 $0x14000, s16;
	s5 =	sadd.s32 $0x6200, s0  }
0x9: {  	s6 =	sadd.s32 $0x2D400, s0;
	s7 =	sadd.s32 $0x56A00, s0;
	s13 =	smul.u32 $0x50000, s16  }
0xa: {  	s24 =	sshll.u32 s16, $0x6;
	_ =	strace $0x8000004A;
	s10 =	smul.u32 $0x140000, s8  }
0xb: {  	s12 =	ssub.s32 $0x2, s8;
	p0 =	seq.s32 s8, $0x1;
	s11 =	sshrl.u32 s4, $0x3  }
0xc: {  	s15 =	sshrl.u32 s12, $0x1;
	s23 =	sshrl.u32 s13, $0x2;
	s10 =	sadd.s32 s9, s10  }
0xd: {  	s14 =	sadd.s32 s11, s0;
	s15 =	ssub.s32 s12, s15;
	s17 =	sadd.s32 s23, s2  }
0xe: {  	s9 =	sshrl.u32 s9, $0x3;
	s23 =	simm.s32 $0x2900;
	s10 =	sshrl.u32 s10, $0x3  }
0xf: {  	s1 =	sadd.s32 s1, s9;
	s9 =	sor.u32 $0x1C07, s24;
	s25 =	sadd.s32 $0x1200, s14  }
.Ltmp0:
0x10: {  	s14 =	smax.u32 s15, $0x1;
	s17 =	sshrl.u32 s17, $0x3;
	(pc) =	sbr.rel .LBB2_1-.Ltmp0, $4  }
0x11: {  	s24 =	simm.s32 $0x2;
	s0 =	sadd.s32 s10, s0;
	[dreg:$0x4] =	wrdreg s1  }
0x12: {  	s10 =	sadd.s32 s7, s11;
	[dreg:$0x5] =	wrdreg s25;
	s25 =	simm.s32 $0x6900  }
0x13: {  	s26 =	sadd.s32 $0x10, s10;
	s13 =	sadd.s32 $0x5BA00, s0;
	s15 =	sadd.s32 $0x20, s10  }
0x14: {  	s16 =	sadd.s32 $0x30, s10;
	[dreg:$0x6] =	wrdreg s26;
	s26 =	simm.s32 $0x3  }
.LBB2_9:
0x15: {  	s0 =	sadd.s32 $0xFFFFFE00, s0  }
.LBB2_10:
0x16: {  	s0 =	sshra.s32 s0, $0x2  }
0x17: {  	s0 =	sadd.s32 $0x80, s0  }
0x18: {  	[spmem:s2] =	stream.indirect.scatter.add.f32 [tilespmem:s25], [sflag:$0x6], $0x80, s0, s22, $0xb8;
	[tilespmem:$0x1E900] =	vst v63  }
0x19: {  	_ =	swait.ge [sflag:s29], $0x4000  }
0x1a: {  	[sflag:s29] =	ssyncset.done $0x0  }
0x1b: {  	[sflag:s29] =	ssyncadd.s32 $0xFFFFC000  }
0x1c: {  	_ =	swait.ge [sflag:s30], $0x4000  }
0x1d: {  	s31 =	sadd.s32 $0x1, s31;
	[sflag:s30] =	ssyncset.done $0x0  }
0x1e: {  	p1 =	sne.s32 s31, s14;
	[sflag:s30] =	ssyncadd.s32 $0xFFFFC000  }
.Ltmp1:
0x1f: {  	[bflag:$0x0] =	sbarrier.arrive $0xFFFF;
	(pc) =	sbr.rel @!p1 .LBB2_11-.Ltmp1, $4  }
0x20: {  	[hbm:s13], [sflag:s9] =	dma.local [spmem:s17], $0x2800  }
0x21: {  	_ =	swait.ge [sflag:s18], $0x2800  }
0x22: {  	[sflag:s18] =	ssyncset.done $0x0  }
0x23: {  	[sflag:s18] =	ssyncadd.s32 $0xFFFFD800  }
.LBB2_1:
0x24: {  	s0 =	rddreg [dreg:$0x4]  }
0x25: {  	[spmem:s17], [sflag:s9] =	dma.local [hbm:s0], $0x2800  }
0x26: {  	_ =	swait.ge [sflag:s18], $0x2800  }
0x27: {  	[sflag:s18] =	ssyncset.done $0x0  }
0x28: {  	s11 =	rddreg [dreg:$0x5];
	[sflag:s18] =	ssyncadd.s32 $0xFFFFD800  }
0x29: {  	[tilespmem:s3], [sflag:$0x7] =	stream.linear.gather [hbm4b:s11+s3], $0x2800, $0x38;
	[tilespmem:$0x1E900] =	vst v63  }
0x2a: {  	_ =	swait.ge [sflag:s18], $0x2800  }
0x2b: {  	[sflag:s18] =	ssyncset.done $0x0  }
0x2c: {  	[sflag:s18] =	ssyncadd.s32 $0xFFFFD800  }
0x2d: {  	[bflag:$0x0] =	sbarrier.arrive $0xFFFF  }
0x2e: {  	[tilespmem:s19], [sflag:$0x1] =	stream.linear.gather [hbm4b:s10+s3], $0x80, $0x38;
	[tilespmem:$0x1E900] =	vst v63  }
.Ltmp2:
0x2f: {  	s12 =	rddreg [dreg:$0x6];
	(pc) =	sbr.rel @!p0 .LBB2_2-.Ltmp2, $4  }
0x30: {  	[tilespmem:s20], [sflag:$0x2] =	stream.linear.gather [hbm4b:s12+s3], $0x80, $0x38;
	[tilespmem:$0x1E900] =	vst v63  }
0x31: {  	_ =	swait.ge [sflag:s21], $0x80  }
0x32: {  	[sflag:s21] =	ssyncset.done $0x0  }
0x33: {  	[sflag:s21] =	ssyncadd.s32 $0xFFFFFF80  }
0x34: {  	[tilespmem:s23], [sflag:$0x3] =	stream.indirect.gather [hbm4b:s6+s22], $0x80, s19, s22, $0xb8;
	[tilespmem:$0x1E900] =	vst v63  }
0x35: {  	_ =	swait.ge [sflag:s24], $0x80  }
0x36: {  	[sflag:s24] =	ssyncset.done $0x0  }
0x37: {  	[sflag:s24] =	ssyncadd.s32 $0xFFFFFF80  }
0x38: {  	[tilespmem:s25], [sflag:$0x4] =	stream.indirect.gather [hbm4b:s6+s22], $0x80, s20, s22, $0xb8;
	[tilespmem:$0x1E900] =	vst v63  }
0x39: {  	_ =	swait.ge [sflag:s26], $0x4000  }
0x3a: {  	[sflag:s26] =	ssyncset.done $0x0  }
0x3b: {  	[sflag:s26] =	ssyncadd.s32 $0xFFFFC000  }
0x3c: {  	[tilespmem:s19], [sflag:$0x1] =	stream.linear.gather [hbm4b:s15+s3], $0x80, $0x38;
	[tilespmem:$0x1E900] =	vst v63  }
0x3d: {  	_ = 	snop  }
0x3e: {  	[spmem:s2] =	stream.indirect.scatter.add.f32 [tilespmem:s23], [sflag:$0x5], $0x80, s3, s22, $0xb8;
	[tilespmem:$0x1E900] =	vst v63  }
0x3f: {  	_ =	swait.ge [sflag:s28], $0x4000  }
0x40: {  	[sflag:s28] =	ssyncset.done $0x0  }
0x41: {  	[sflag:s28] =	ssyncadd.s32 $0xFFFFC000  }
0x42: {  	[tilespmem:s20], [sflag:$0x2] =	stream.linear.gather [hbm4b:s16+s3], $0x80, $0x38;
	[tilespmem:$0x1E900] =	vst v63  }
0x43: {  	_ = 	snop  }
0x44: {  	[spmem:s2] =	stream.indirect.scatter.add.f32 [tilespmem:s25], [sflag:$0x6], $0x80, s22, s22, $0xb8;
	[tilespmem:$0x1E900] =	vst v63  }
0x45: {  	_ =	swait.ge [sflag:s29], $0x4000  }
0x46: {  	[sflag:s29] =	ssyncset.done $0x0  }
0x47: {  	[sflag:s29] =	ssyncadd.s32 $0xFFFFC000  }
0x48: {  	_ =	swait.ge [sflag:s21], $0x80  }
0x49: {  	[sflag:s21] =	ssyncset.done $0x0  }
0x4a: {  	s0 =	simm.s32 $0x600;
	s1 =	simm.s32 $0x280;
	[sflag:s21] =	ssyncadd.s32 $0xFFFFFF80  }
0x4b: {  	[tilespmem:s23], [sflag:$0x3] =	stream.indirect.gather [hbm4b:s6+s22], $0x80, s19, s22, $0xb8;
	[tilespmem:$0x1E900] =	vst v63  }
.LBB2_6:
0x4c: {  	_ =	swait.ge [sflag:s30], $0x4000  }
0x4d: {  	[sflag:s30] =	ssyncset.done $0x0  }
0x4e: {  	p1 =	seq.s32 s1, $0x2880;
	[sflag:s30] =	ssyncadd.s32 $0xFFFFC000  }
0x4f: {  	s8 =	sadd.s32 @!p1 $0xFFFFFF80, s1;
	_ =	swait.ge [sflag:s24], $0x80  }
0x50: {  	s11 =	sand.u32 @!p1 $0x7C00, s8;
	[sflag:s24] =	ssyncset.done $0x0  }
0x51: {  	s8 =	sand.u32 @!p1 $0x300, s8;
	s11 =	sadd.s32 @!p1 s4, s11;
	[sflag:s24] =	ssyncadd.s32 $0xFFFFFF80  }
0x52: {  	[tilespmem:s25], [sflag:$0x4] =	stream.indirect.gather [hbm4b:s6+s22], $0x80, s20, s22, $0xb8;
	[tilespmem:$0x1E900] =	vst v63  }
0x53: {  	s8 =	sor.u32 @!p1 s8, s11;
	_ =	swait.ge [sflag:s26], $0x4000  }
0x54: {  	s12 =	simm.s32 @!p1 $0x2800;
	s8 =	sshrl.u32 @!p1 s8, $0x3;
	[sflag:s26] =	ssyncset.done $0x0  }
0x55: {  	s11 =	simm.s32 @!p1 $0x0;
	s8 =	sadd.s32 @!p1 s7, s8;
	[sflag:s26] =	ssyncadd.s32 $0xFFFFC000  }
0x56: {  	[tilespmem:s12], [sflag:$0x1] =	stream.linear.gather @!p1 [hbm4b:s8+s11], $0x80, $0x38;
	[tilespmem:$0x1E900] =	vst v63  }
0x57: {  	s8 =	sshra.s32 s0, $0x2  }
.Ltmp3:
0x58: {  	s12 =	sadd.s32 $0xFFFFFF80, s8;
	(pc) =	sbr.rel @p1 .LBB2_8-.Ltmp3, $4  }
0x59: {  	[spmem:s2] =	stream.indirect.scatter.add.f32 [tilespmem:s23], [sflag:$0x5], $0x80, s12, s22, $0xb8;
	[tilespmem:$0x1E900] =	vst v63  }
0x5a: {  	_ =	swait.ge [sflag:s28], $0x4000  }
0x5b: {  	[sflag:s28] =	ssyncset.done $0x0  }
0x5c: {  	[sflag:s28] =	ssyncadd.s32 $0xFFFFC000  }
0x5d: {  	s11 =	sand.u32 $0x7C00, s1  }
0x5e: {  	s12 =	sand.u32 $0x380, s1;
	s11 =	sadd.s32 s4, s11  }
0x5f: {  	s11 =	sor.u32 s12, s11  }
0x60: {  	s11 =	sshrl.u32 s11, $0x3  }
0x61: {  	s11 =	sadd.s32 s7, s11  }
0x62: {  	[tilespmem:s20], [sflag:$0x2] =	stream.linear.gather [hbm4b:s11+s3], $0x80, $0x38;
	[tilespmem:$0x1E900] =	vst v63  }
0x63: {  	_ = 	snop  }
0x64: {  	[spmem:s2] =	stream.indirect.scatter.add.f32 [tilespmem:s25], [sflag:$0x6], $0x80, s8, s22, $0xb8;
	[tilespmem:$0x1E900] =	vst v63  }
0x65: {  	_ =	swait.ge [sflag:s29], $0x4000  }
0x66: {  	[sflag:s29] =	ssyncset.done $0x0  }
.Ltmp4:
0x67: {  	[sflag:s29] =	ssyncadd.s32 $0xFFFFC000;
	(pc) =	sbr.rel .LBB2_6-.Ltmp4, $4  }
0x68: {  	_ =	swait.ge [sflag:s21], $0x80  }
0x69: {  	[sflag:s21] =	ssyncset.done $0x0  }
0x6a: {  	s0 =	sadd.s32 $0x400, s0;
	s1 =	sadd.s32 $0x100, s1;
	[sflag:s21] =	ssyncadd.s32 $0xFFFFFF80  }
0x6b: {  	[tilespmem:s23], [sflag:$0x3] =	stream.indirect.gather [hbm4b:s6+s22], $0x80, s19, s22, $0xb8;
	[tilespmem:$0x1E900] =	vst v63  }
.LBB2_2:
0x6c: {  	[tilespmem:s23], [sflag:$0x3] =	stream.indirect.gather [hbm4b:s5+s22], $0x80, s19, s22, $0xb8;
	[tilespmem:$0x1E900] =	vst v63  }
0x6d: {  	_ =	swait.ge [sflag:s24], $0x80  }
0x6e: {  	[sflag:s24] =	ssyncset.done $0x0  }
0x6f: {  	[sflag:s24] =	ssyncadd.s32 $0xFFFFFF80  }
0x70: {  	[tilespmem:s25], [sflag:$0x4] =	stream.indirect.gather [hbm4b:s5+s22], $0x80, s20, s22, $0xb8;
	[tilespmem:$0x1E900] =	vst v63  }
0x71: {  	_ =	swait.ge [sflag:s26], $0x4000  }
0x72: {  	[sflag:s26] =	ssyncset.done $0x0  }
0x73: {  	[sflag:s26] =	ssyncadd.s32 $0xFFFFC000  }
0x74: {  	[tilespmem:s19], [sflag:$0x1] =	stream.linear.gather [hbm4b:s15+s3], $0x80, $0x38;
	[tilespmem:$0x1E900] =	vst v63  }
0x75: {  	_ = 	snop  }
0x76: {  	[spmem:s2] =	stream.indirect.scatter.add.f32 [tilespmem:s23], [sflag:$0x5], $0x80, s3, s22, $0xb8;
	[tilespmem:$0x1E900] =	vst v63  }
0x77: {  	_ =	swait.ge [sflag:s28], $0x4000  }
0x78: {  	[sflag:s28] =	ssyncset.done $0x0  }
0x79: {  	[sflag:s28] =	ssyncadd.s32 $0xFFFFC000  }
0x7a: {  	[tilespmem:s20], [sflag:$0x2] =	stream.linear.gather [hbm4b:s16+s3], $0x80, $0x38;
	[tilespmem:$0x1E900] =	vst v63  }
0x7b: {  	_ = 	snop  }
0x7c: {  	[spmem:s2] =	stream.indirect.scatter.add.f32 [tilespmem:s25], [sflag:$0x6], $0x80, s22, s22, $0xb8;
	[tilespmem:$0x1E900] =	vst v63  }
0x7d: {  	_ =	swait.ge [sflag:s29], $0x4000  }
0x7e: {  	[sflag:s29] =	ssyncset.done $0x0  }
0x7f: {  	[sflag:s29] =	ssyncadd.s32 $0xFFFFC000  }
0x80: {  	_ =	swait.ge [sflag:s21], $0x80  }
0x81: {  	[sflag:s21] =	ssyncset.done $0x0  }
0x82: {  	s0 =	simm.s32 $0x600;
	s1 =	simm.s32 $0x280;
	[sflag:s21] =	ssyncadd.s32 $0xFFFFFF80  }
0x83: {  	[tilespmem:s23], [sflag:$0x3] =	stream.indirect.gather [hbm4b:s5+s22], $0x80, s19, s22, $0xb8;
	[tilespmem:$0x1E900] =	vst v63  }
.LBB2_3:
0x84: {  	_ =	swait.ge [sflag:s30], $0x4000  }
0x85: {  	[sflag:s30] =	ssyncset.done $0x0  }
0x86: {  	p1 =	seq.s32 s1, $0x2880;
	[sflag:s30] =	ssyncadd.s32 $0xFFFFC000  }
0x87: {  	s8 =	sadd.s32 @!p1 $0xFFFFFF80, s1;
	_ =	swait.ge [sflag:s24], $0x80  }
0x88: {  	s11 =	sand.u32 @!p1 $0x7C00, s8;
	[sflag:s24] =	ssyncset.done $0x0  }
0x89: {  	s8 =	sand.u32 @!p1 $0x300, s8;
	s11 =	sadd.s32 @!p1 s4, s11;
	[sflag:s24] =	ssyncadd.s32 $0xFFFFFF80  }
0x8a: {  	[tilespmem:s25], [sflag:$0x4] =	stream.indirect.gather [hbm4b:s5+s22], $0x80, s20, s22, $0xb8;
	[tilespmem:$0x1E900] =	vst v63  }
0x8b: {  	s8 =	sor.u32 @!p1 s8, s11;
	_ =	swait.ge [sflag:s26], $0x4000  }
0x8c: {  	s12 =	simm.s32 @!p1 $0x2800;
	s8 =	sshrl.u32 @!p1 s8, $0x3;
	[sflag:s26] =	ssyncset.done $0x0  }
0x8d: {  	s11 =	simm.s32 @!p1 $0x0;
	s8 =	sadd.s32 @!p1 s7, s8;
	[sflag:s26] =	ssyncadd.s32 $0xFFFFC000  }
0x8e: {  	[tilespmem:s12], [sflag:$0x1] =	stream.linear.gather @!p1 [hbm4b:s8+s11], $0x80, $0x38;
	[tilespmem:$0x1E900] =	vst v63  }
0x8f: {  	s8 =	sshra.s32 s0, $0x2  }
.Ltmp5:
0x90: {  	s12 =	sadd.s32 $0xFFFFFF80, s8;
	(pc) =	sbr.rel @p1 .LBB2_9-.Ltmp5, $4  }
0x91: {  	[spmem:s2] =	stream.indirect.scatter.add.f32 [tilespmem:s23], [sflag:$0x5], $0x80, s12, s22, $0xb8;
	[tilespmem:$0x1E900] =	vst v63  }
0x92: {  	_ =	swait.ge [sflag:s28], $0x4000  }
0x93: {  	[sflag:s28] =	ssyncset.done $0x0  }
0x94: {  	[sflag:s28] =	ssyncadd.s32 $0xFFFFC000  }
0x95: {  	s11 =	sand.u32 $0x7C00, s1  }
0x96: {  	s12 =	sand.u32 $0x380, s1;
	s11 =	sadd.s32 s4, s11  }
0x97: {  	s11 =	sor.u32 s12, s11  }
0x98: {  	s11 =	sshrl.u32 s11, $0x3  }
0x99: {  	s11 =	sadd.s32 s7, s11  }
0x9a: {  	[tilespmem:s20], [sflag:$0x2] =	stream.linear.gather [hbm4b:s11+s3], $0x80, $0x38;
	[tilespmem:$0x1E900] =	vst v63  }
0x9b: {  	_ = 	snop  }
0x9c: {  	[spmem:s2] =	stream.indirect.scatter.add.f32 [tilespmem:s25], [sflag:$0x6], $0x80, s8, s22, $0xb8;
	[tilespmem:$0x1E900] =	vst v63  }
0x9d: {  	_ =	swait.ge [sflag:s29], $0x4000  }
0x9e: {  	[sflag:s29] =	ssyncset.done $0x0  }
.Ltmp6:
0x9f: {  	[sflag:s29] =	ssyncadd.s32 $0xFFFFC000;
	(pc) =	sbr.rel .LBB2_3-.Ltmp6, $4  }
0xa0: {  	_ =	swait.ge [sflag:s21], $0x80  }
0xa1: {  	[sflag:s21] =	ssyncset.done $0x0  }
0xa2: {  	s0 =	sadd.s32 $0x400, s0;
	s1 =	sadd.s32 $0x100, s1;
	[sflag:s21] =	ssyncadd.s32 $0xFFFFFF80  }
0xa3: {  	[tilespmem:s23], [sflag:$0x3] =	stream.indirect.gather [hbm4b:s5+s22], $0x80, s19, s22, $0xb8;
	[tilespmem:$0x1E900] =	vst v63  }
.LBB2_8:
.Ltmp7:
0xa4: {  	(pc) =	sbr.rel .LBB2_10-.Ltmp7, $2  }
0xa5: {  	_ =	sdelay $0x2  }
0xa6: {  	s0 =	sadd.s32 $0xFFFFFE00, s0  }
.LBB2_11:
0xa7: {  	_ =	sfence.sel $0x180000  }
0xa8: {  	[bflag:$0x0] =	sbarrier.arrive $0xFFFF  }
0xa9: {  	_ =	strace $0x9000004A  }
0xaa: {  	s0 =	stileid.u32;
	[bflag:$0x2] =	sbarrier.arrive $0xFFFF  }
0xab: {  	p0 =	sne.s32 s0, $0x0;
	s0 =	rddreg [dreg:$0x3]  }
0xac: {  	s0 =	sadd.s32 @!p0 $0x100000, s0  }
0xad: {  	[sflag:s0] =	ssyncadd.tile.s32 @!p0 $0x1;
	_ =	shalt  }
.Lfunc_end2:
_tile_overlayer_lowered:
.L_overlay_start_2:
0xae: {  	(tag) =	ssettag $0x2  }
0xaf: {  	s0 =	rddreg [dreg:$0x0];
	s2 =	stileid.u32  }
0xb0: {  	s1 =	rddreg [dreg:$0x1];
	p0 =	sne.s32 s2, $0x0  }
0xb1: {  	s3 =	rddreg [dreg:$0x2];
	[bflag:$0x3] =	sbarrier.arrive $0xFFFF;
	s2 =	simm.s32 @!p0 $0x1C07  }
0xb2: {  	[timem:s3], [sflag:s2] =	dma.local @!p0 [hbm:s0], s1  }
0xb3: {  	s0 =	simm.s32 @!p0 $0x7  }
0xb4: {  	_ =	swait.ge @!p0 [sflag:s0], s1  }
0xb5: {  	s1 =	ssub.s32 @!p0 $0x0, s1;
	[sflag:s0] =	ssyncset.done @!p0 $0x0  }
0xb6: {  	[sflag:s0] =	ssyncadd.s32 @!p0 s1  }
0xb7: {  	[bflag:$0x3] =	sbarrier.arrive $0xFFFF  }
0xb8: {  	_ =	shalt  }

</sc_bundles>
